<compile_context>
chip_gen: v7x
topology: tpu7x:2x2x1
jax: 0.10.2.dev20260603
libtpu: 0.0.44.dev20260713+nightly
codegen_flags: <defaults>
</compile_context>

<pallas_src>
import jax
import jax.numpy as jnp
from jax import lax
from jax.experimental import pallas as pl
from jax.experimental.pallas import tpu as pltpu
from jax.experimental.pallas import tpu_sc as plsc
import functools

N_NODES = 10000
N_EDGES = 320000
D = 128
NC = 2
NS = 16
NW = NC * NS
K = 104
NCHUNK = 96
EPT = NCHUNK * K
KE = 64
EXTRA = N_EDGES - NW * EPT
R0 = 624
SCALE = 1.0 / 33.0

_mesh = plsc.VectorSubcoreMesh(core_axis_name="c", subcore_axis_name="s")


@functools.partial(
    pl.kernel,
    out_type=jax.ShapeDtypeStruct((NC, N_NODES, D), jnp.float32),
    mesh=_mesh,
    scratch_types=[
        pltpu.VMEM((K,), jnp.int32),
        pltpu.VMEM((K,), jnp.int32),
        pltpu.VMEM((K,), jnp.int32),
        pltpu.VMEM((K,), jnp.int32),
        pltpu.VMEM((K,), jnp.int32),
        pltpu.VMEM((K,), jnp.int32),
        pltpu.VMEM((K, D), jnp.float32),
        pltpu.VMEM((K, D), jnp.float32),
        pltpu.VMEM((K, D), jnp.float32),
        pltpu.VMEM((KE,), jnp.int32),
        pltpu.VMEM((KE,), jnp.int32),
        pltpu.VMEM_SHARED((N_NODES, D), jnp.float32),
        pltpu.SemaphoreType.DMA((3,)),
        pltpu.SemaphoreType.DMA((3,)),
        pltpu.SemaphoreType.DMA((3,)),
        pltpu.SemaphoreType.DMA((3,)),
    ],
)
def _sc_aggregate(x_hbm, src_hbm, dst_hbm, out_hbm, s0, s1, s2, d0, d1, d2,
                  r0, r1, r2, se, de, agg_sp, si, sd, sr, ss):
    c = lax.axis_index("c")
    s = lax.axis_index("s")
    wid = c * NS + s
    srcs, dsts, rows = (s0, s1, s2), (d0, d1, d2), (r0, r1, r2)

    def start_idx(b, jj):
        off = wid * EPT + jj * K
        pltpu.async_copy(src_hbm.at[pl.ds(off, K)], srcs[b], si.at[b])
        pltpu.async_copy(dst_hbm.at[pl.ds(off, K)], dsts[b], sd.at[b])

    def wait_idx(b):
        pltpu.make_async_copy(src_hbm.at[pl.ds(0, K)], srcs[b], si.at[b]).wait()
        pltpu.make_async_copy(dst_hbm.at[pl.ds(0, K)], dsts[b], sd.at[b]).wait()

    def start_gather(b):
        pltpu.async_copy(x_hbm.at[srcs[b]], rows[b], sr.at[b])

    def wait_gather(b):
        pltpu.make_async_copy(x_hbm.at[srcs[b]], rows[b], sr.at[b]).wait()

    def start_scatter(b):
        pltpu.async_copy(rows[b], agg_sp.at[dsts[b]], ss.at[b], add=True)

    def wait_scatter(b):
        pltpu.make_async_copy(rows[b], agg_sp.at[dsts[b]], ss.at[b]).wait()

    start_idx(0, 0)
    start_idx(1, 1)
    start_idx(2, 2)
    wait_idx(1)
    start_gather(1)

    def zero_body(i, _):
        r0[i // 8, pl.ds((i % 8) * 16, 16)] = jnp.zeros((16,), jnp.float32)
        return 0
    lax.fori_loop(0, K * (D // 16), zero_body, 0)

    def zcopy_body(k, _):
        pltpu.sync_copy(r0, agg_sp.at[pl.ds(s * R0 + k * K, K)])
        return 0
    lax.fori_loop(0, R0 // K, zcopy_body, 0)

    @pl.when(s == NS - 1)
    def _():
        pltpu.sync_copy(r0.at[pl.ds(0, 16)], agg_sp.at[pl.ds(NS * R0, 16)])

    plsc.subcore_barrier()

    wait_idx(0)
    start_gather(0)

    def step(jj, b):
        b2 = (b + 2) % 3
        wait_gather(b)
        start_scatter(b)

        @pl.when(jj + 3 < NCHUNK)
        def _():
            start_idx(b, jj + 3)

        @pl.when(jj + 2 < NCHUNK)
        def _():
            wait_idx(b2)

            @pl.when(jj >= 1)
            def _():
                wait_scatter(b2)
            start_gather(b2)

    def trio_body(i, _):
        step(3 * i, 0)
        step(3 * i + 1, 1)
        step(3 * i + 2, 2)
        return 0
    lax.fori_loop(0, NCHUNK // 3, trio_body, 0)

    wait_scatter(0)
    wait_scatter(1)
    wait_scatter(2)

    @pl.when(wid < EXTRA // KE)
    def _():
        off = NW * EPT + wid * KE
        pltpu.sync_copy(src_hbm.at[pl.ds(off, KE)], se)
        pltpu.sync_copy(dst_hbm.at[pl.ds(off, KE)], de)
        pltpu.sync_copy(x_hbm.at[se], r0.at[pl.ds(0, KE)])
        pltpu.sync_copy(r0.at[pl.ds(0, KE)], agg_sp.at[de], add=True)

    plsc.subcore_barrier()

    pltpu.sync_copy(agg_sp.at[pl.ds(s * R0, R0)],
                    out_hbm.at[c, pl.ds(s * R0, R0)])

    @pl.when(s == NS - 1)
    def _():
        pltpu.sync_copy(agg_sp.at[pl.ds(NS * R0, 16)],
                        out_hbm.at[c, pl.ds(NS * R0, 16)])


def _tc_body(eps_ref, x_ref, a0_ref, a1_ref, w_ref, b_ref, o_ref):
    h = (x_ref[...] * (1.0 + eps_ref[0]) + (a0_ref[0] + a1_ref[0])) * SCALE
    acc = jnp.dot(h, w_ref[...], preferred_element_type=jnp.float32)
    o_ref[...] = jnp.maximum(acc + b_ref[...], 0.0)


_BLK = 1000


def _tc_dense(eps, x, a0, a1, W, b2):
    grid = (N_NODES // _BLK,)
    return pl.pallas_call(
        _tc_body,
        grid=grid,
        in_specs=[
            pl.BlockSpec(memory_space=pltpu.SMEM),
            pl.BlockSpec((_BLK, D), lambda i: (i, 0)),
            pl.BlockSpec((1, _BLK, D), lambda i: (0, i, 0)),
            pl.BlockSpec((1, _BLK, D), lambda i: (1, i, 0)),
            pl.BlockSpec((D, D), lambda i: (0, 0)),
            pl.BlockSpec((1, D), lambda i: (0, 0)),
        ],
        out_specs=pl.BlockSpec((_BLK, D), lambda i: (i, 0)),
        out_shape=jax.ShapeDtypeStruct((N_NODES, D), jnp.float32),
    )(eps, x, a0, a1, W, b2)


def kernel(x, edge_index, eps, W, b):
    src = edge_index[:, 0]
    dst = edge_index[:, 1]
    agg = _sc_aggregate(x, src, dst)
    return _tc_dense(eps, x, agg, agg, W, b.reshape(1, D))

# --- scband reference (transcript-rebuilt; emitter-appended) ---
"""Pipeline reference for scband-gin-21071109554680 (READ-ONLY COPY).

The authoritative reference and input builder live on the scoring server;
editing this copy changes nothing except your own understanding.
"""

import jax, jax.numpy as jnp
import numpy as np

N_NODES = 10000
N_EDGES = 320000
D_FEAT = 128
UNITS = 128
MAX_NEIGHBORS = 32


def setup_inputs(seed: int = 0) -> dict:
    key = jax.random.key(seed)
    k1, k2, k3 = jax.random.split(key, 3)
    x = jax.random.normal(k1, (N_NODES, D_FEAT), dtype=jnp.float32)
    edge_index = jax.random.randint(k2, (N_EDGES, 2), 0, N_NODES, dtype=jnp.int32)
    # learned parameters
    weight_std = np.sqrt(2.0 / ((MAX_NEIGHBORS + 1) * D_FEAT + UNITS)).astype(np.float32)
    W = jax.random.normal(k3, (D_FEAT, UNITS), dtype=jnp.float32) * weight_std
    b = jnp.zeros((UNITS,), dtype=jnp.float32)
    eps = jnp.zeros((1,), dtype=jnp.float32)
    return {"x": x, "edge_index": edge_index, "eps": eps, "W": W, "b": b}


def reference(x, edge_index, eps, W, b):
    n_nodes = x.shape[0]
    sender = jnp.take(x, edge_index[:, 0], axis=0)          # gather sender node features
    agg = jax.ops.segment_sum(sender, edge_index[:, 1], num_segments=n_nodes)  # scatter-add by receiver
    h = (1.0 + eps) * x
    h = h + agg
    scale = 1.0 / (MAX_NEIGHBORS + 1)
    h = h * scale
    out = jax.nn.relu(jnp.dot(h, W) + b)
    return out

if __name__ == "__main__":
    import jax
    _d = setup_inputs()
    print(jax.jit(kernel)(*tuple(_d.values())))

</pallas_src>

<mosaic_0001>
#map = affine_map<(d0, d1) -> (0, 0)>
#map1 = affine_map<(d0, d1) -> (0)>
#map2 = affine_map<(d0, d1) -> (0, 0, 0)>
module attributes {stable_mosaic.version = 14 : i64} {
  func.func @_sc_aggregate(%arg0: i32, %arg1: i32, %arg2: memref<10000x128xf32, #tpu.memory_space<hbm>>, %arg3: memref<320000xi32, #tpu.memory_space<hbm>>, %arg4: memref<320000xi32, #tpu.memory_space<hbm>>, %arg5: memref<2x10000x128xf32, #tpu.memory_space<hbm>>, %arg6: memref<104xi32, #tpu.memory_space<vmem>>, %arg7: memref<104xi32, #tpu.memory_space<vmem>>, %arg8: memref<104xi32, #tpu.memory_space<vmem>>, %arg9: memref<104xi32, #tpu.memory_space<vmem>>, %arg10: memref<104xi32, #tpu.memory_space<vmem>>, %arg11: memref<104xi32, #tpu.memory_space<vmem>>, %arg12: memref<104x128xf32, #tpu.memory_space<vmem>>, %arg13: memref<104x128xf32, #tpu.memory_space<vmem>>, %arg14: memref<104x128xf32, #tpu.memory_space<vmem>>, %arg15: memref<64xi32, #tpu.memory_space<vmem>>, %arg16: memref<64xi32, #tpu.memory_space<vmem>>, %arg17: memref<10000x128xf32, #tpu.memory_space<vmem_shared>>, %arg18: memref<3x!tpu.dma_semaphore, #tpu.memory_space<semaphore_mem>>, %arg19: memref<3x!tpu.dma_semaphore, #tpu.memory_space<semaphore_mem>>, %arg20: memref<3x!tpu.dma_semaphore, #tpu.memory_space<semaphore_mem>>, %arg21: memref<3x!tpu.dma_semaphore, #tpu.memory_space<semaphore_mem>>) attributes {dimension_semantics = [#tpu.dimension_semantics<core_parallel>, #tpu.dimension_semantics<subcore_parallel>], iteration_bounds = array<i64: 2, 16>, scalar_prefetch = 0 : i64, scratch_operands = 16 : i64, tpu.core_type = #tpu.core_type<sc_vector_subcore>, window_params = [{transform_indices = #map}, {transform_indices = #map1}, {transform_indices = #map1}, {transform_indices = #map2}]} {
    %mul3A = arith.constant 16 : i32
    %mul3A_0 = arith.muli %arg0, %mul3A : i32
    %add3A = arith.addi %mul3A_0, %arg1 : i32
    %mul3A_1 = arith.constant 9984 : i32
    %mul3A_2 = arith.muli %add3A, %mul3A_1 : i32
    %add3A_3 = arith.constant 0 : i32
    %add3A_4 = arith.addi %mul3A_2, %add3A_3 : i32
    %dma_start3A = arith.constant 0 : i32
    %dma_start3A_5 = tpu.memref_slice %arg3[%add3A_4] : memref<320000xi32, #tpu.memory_space<hbm>> -> memref<104xi32, #tpu.memory_space<hbm>>
    %dma_start3A_6 = tpu.memref_slice %arg18[%dma_start3A] : memref<3x!tpu.dma_semaphore, #tpu.memory_space<semaphore_mem>> -> memref<1x!tpu.dma_semaphore, #tpu.memory_space<semaphore_mem>>
    %dma_start3A_7 = tpu.memref_squeeze %dma_start3A_6 : memref<1x!tpu.dma_semaphore, #tpu.memory_space<semaphore_mem>> -> memref<!tpu.dma_semaphore, #tpu.memory_space<semaphore_mem>>
    %dma_start3A_8 = tpu.memref_slice %arg3[%add3A_4] : memref<320000xi32, #tpu.memory_space<hbm>> -> memref<104xi32, #tpu.memory_space<hbm>>
    tpu.enqueue_dma source(%dma_start3A_8 : memref<104xi32, #tpu.memory_space<hbm>>) target(%arg6 : memref<104xi32, #tpu.memory_space<vmem>>) target_semaphore(%dma_start3A_7 : memref<!tpu.dma_semaphore, #tpu.memory_space<semaphore_mem>>)
    %dma_start3A_9 = arith.constant 0 : i32
    %dma_start3A_10 = tpu.memref_slice %arg4[%add3A_4] : memref<320000xi32, #tpu.memory_space<hbm>> -> memref<104xi32, #tpu.memory_space<hbm>>
    %dma_start3A_11 = tpu.memref_slice %arg19[%dma_start3A_9] : memref<3x!tpu.dma_semaphore, #tpu.memory_space<semaphore_mem>> -> memref<1x!tpu.dma_semaphore, #tpu.memory_space<semaphore_mem>>
    %dma_start3A_12 = tpu.memref_squeeze %dma_start3A_11 : memref<1x!tpu.dma_semaphore, #tpu.memory_space<semaphore_mem>> -> memref<!tpu.dma_semaphore, #tpu.memory_space<semaphore_mem>>
    %dma_start3A_13 = tpu.memref_slice %arg4[%add3A_4] : memref<320000xi32, #tpu.memory_space<hbm>> -> memref<104xi32, #tpu.memory_space<hbm>>
    tpu.enqueue_dma source(%dma_start3A_13 : memref<104xi32, #tpu.memory_space<hbm>>) target(%arg9 : memref<104xi32, #tpu.memory_space<vmem>>) target_semaphore(%dma_start3A_12 : memref<!tpu.dma_semaphore, #tpu.memory_space<semaphore_mem>>)
    %mul3A_14 = arith.constant 9984 : i32
    %mul3A_15 = arith.muli %add3A, %mul3A_14 : i32
    %add3A_16 = arith.constant 104 : i32
    %add3A_17 = arith.addi %mul3A_15, %add3A_16 : i32
    %dma_start3A_18 = arith.constant 1 : i32
    %dma_start3A_19 = tpu.memref_slice %arg3[%add3A_17] : memref<320000xi32, #tpu.memory_space<hbm>> -> memref<104xi32, #tpu.memory_space<hbm>>
    %dma_start3A_20 = tpu.memref_slice %arg18[%dma_start3A_18] : memref<3x!tpu.dma_semaphore, #tpu.memory_space<semaphore_mem>> -> memref<1x!tpu.dma_semaphore, #tpu.memory_space<semaphore_mem>>
    %dma_start3A_21 = tpu.memref_squeeze %dma_start3A_20 : memref<1x!tpu.dma_semaphore, #tpu.memory_space<semaphore_mem>> -> memref<!tpu.dma_semaphore, #tpu.memory_space<semaphore_mem>>
    %dma_start3A_22 = tpu.memref_slice %arg3[%add3A_17] : memref<320000xi32, #tpu.memory_space<hbm>> -> memref<104xi32, #tpu.memory_space<hbm>>
    tpu.enqueue_dma source(%dma_start3A_22 : memref<104xi32, #tpu.memory_space<hbm>>) target(%arg7 : memref<104xi32, #tpu.memory_space<vmem>>) target_semaphore(%dma_start3A_21 : memref<!tpu.dma_semaphore, #tpu.memory_space<semaphore_mem>>)
    %dma_start3A_23 = arith.constant 1 : i32
    %dma_start3A_24 = tpu.memref_slice %arg4[%add3A_17] : memref<320000xi32, #tpu.memory_space<hbm>> -> memref<104xi32, #tpu.memory_space<hbm>>
    %dma_start3A_25 = tpu.memref_slice %arg19[%dma_start3A_23] : memref<3x!tpu.dma_semaphore, #tpu.memory_space<semaphore_mem>> -> memref<1x!tpu.dma_semaphore, #tpu.memory_space<semaphore_mem>>
    %dma_start3A_26 = tpu.memref_squeeze %dma_start3A_25 : memref<1x!tpu.dma_semaphore, #tpu.memory_space<semaphore_mem>> -> memref<!tpu.dma_semaphore, #tpu.memory_space<semaphore_mem>>
    %dma_start3A_27 = tpu.memref_slice %arg4[%add3A_17] : memref<320000xi32, #tpu.memory_space<hbm>> -> memref<104xi32, #tpu.memory_space<hbm>>
    tpu.enqueue_dma source(%dma_start3A_27 : memref<104xi32, #tpu.memory_space<hbm>>) target(%arg10 : memref<104xi32, #tpu.memory_space<vmem>>) target_semaphore(%dma_start3A_26 : memref<!tpu.dma_semaphore, #tpu.memory_space<semaphore_mem>>)
    %mul3A_28 = arith.constant 9984 : i32
    %mul3A_29 = arith.muli %add3A, %mul3A_28 : i32
    %add3A_30 = arith.constant 208 : i32
    %add3A_31 = arith.addi %mul3A_29, %add3A_30 : i32
    %dma_start3A_32 = arith.constant 2 : i32
    %dma_start3A_33 = tpu.memref_slice %arg3[%add3A_31] : memref<320000xi32, #tpu.memory_space<hbm>> -> memref<104xi32, #tpu.memory_space<hbm>>
    %dma_start3A_34 = tpu.memref_slice %arg18[%dma_start3A_32] : memref<3x!tpu.dma_semaphore, #tpu.memory_space<semaphore_mem>> -> memref<1x!tpu.dma_semaphore, #tpu.memory_space<semaphore_mem>>
    %dma_start3A_35 = tpu.memref_squeeze %dma_start3A_34 : memref<1x!tpu.dma_semaphore, #tpu.memory_space<semaphore_mem>> -> memref<!tpu.dma_semaphore, #tpu.memory_space<semaphore_mem>>
    %dma_start3A_36 = tpu.memref_slice %arg3[%add3A_31] : memref<320000xi32, #tpu.memory_space<hbm>> -> memref<104xi32, #tpu.memory_space<hbm>>
    tpu.enqueue_dma source(%dma_start3A_36 : memref<104xi32, #tpu.memory_space<hbm>>) target(%arg8 : memref<104xi32, #tpu.memory_space<vmem>>) target_semaphore(%dma_start3A_35 : memref<!tpu.dma_semaphore, #tpu.memory_space<semaphore_mem>>)
    %dma_start3A_37 = arith.constant 2 : i32
    %dma_start3A_38 = tpu.memref_slice %arg4[%add3A_31] : memref<320000xi32, #tpu.memory_space<hbm>> -> memref<104xi32, #tpu.memory_space<hbm>>
    %dma_start3A_39 = tpu.memref_slice %arg19[%dma_start3A_37] : memref<3x!tpu.dma_semaphore, #tpu.memory_space<semaphore_mem>> -> memref<1x!tpu.dma_semaphore, #tpu.memory_space<semaphore_mem>>
    %dma_start3A_40 = tpu.memref_squeeze %dma_start3A_39 : memref<1x!tpu.dma_semaphore, #tpu.memory_space<semaphore_mem>> -> memref<!tpu.dma_semaphore, #tpu.memory_space<semaphore_mem>>
    %dma_start3A_41 = tpu.memref_slice %arg4[%add3A_31] : memref<320000xi32, #tpu.memory_space<hbm>> -> memref<104xi32, #tpu.memory_space<hbm>>
    tpu.enqueue_dma source(%dma_start3A_41 : memref<104xi32, #tpu.memory_space<hbm>>) target(%arg11 : memref<104xi32, #tpu.memory_space<vmem>>) target_semaphore(%dma_start3A_40 : memref<!tpu.dma_semaphore, #tpu.memory_space<semaphore_mem>>)
    %dma_wait3A = arith.constant 1 : i32
    %dma_wait3A_42 = arith.constant 0 : i32
    %dma_wait3A_43 = tpu.memref_slice %arg3[%dma_wait3A_42] : memref<320000xi32, #tpu.memory_space<hbm>> -> memref<104xi32, #tpu.memory_space<hbm>>
    %dma_wait3A_44 = tpu.memref_slice %arg18[%dma_wait3A] : memref<3x!tpu.dma_semaphore, #tpu.memory_space<semaphore_mem>> -> memref<1x!tpu.dma_semaphore, #tpu.memory_space<semaphore_mem>>
    %dma_wait3A_45 = tpu.memref_squeeze %dma_wait3A_44 : memref<1x!tpu.dma_semaphore, #tpu.memory_space<semaphore_mem>> -> memref<!tpu.dma_semaphore, #tpu.memory_space<semaphore_mem>>
    %dma_wait3A_46 = arith.constant 0 : i32
    %dma_wait3A_47 = tpu.memref_slice %arg3[%dma_wait3A_46] : memref<320000xi32, #tpu.memory_space<hbm>> -> memref<104xi32, #tpu.memory_space<hbm>>
    tpu.wait_dma2 semaphore(%dma_wait3A_45 : memref<!tpu.dma_semaphore, #tpu.memory_space<semaphore_mem>>) src(%dma_wait3A_47 : memref<104xi32, #tpu.memory_space<hbm>>) dst(%arg7 : memref<104xi32, #tpu.memory_space<vmem>>)
    %dma_wait3A_48 = arith.constant 1 : i32
    %dma_wait3A_49 = arith.constant 0 : i32
    %dma_wait3A_50 = tpu.memref_slice %arg4[%dma_wait3A_49] : memref<320000xi32, #tpu.memory_space<hbm>> -> memref<104xi32, #tpu.memory_space<hbm>>
    %dma_wait3A_51 = tpu.memref_slice %arg19[%dma_wait3A_48] : memref<3x!tpu.dma_semaphore, #tpu.memory_space<semaphore_mem>> -> memref<1x!tpu.dma_semaphore, #tpu.memory_space<semaphore_mem>>
    %dma_wait3A_52 = tpu.memref_squeeze %dma_wait3A_51 : memref<1x!tpu.dma_semaphore, #tpu.memory_space<semaphore_mem>> -> memref<!tpu.dma_semaphore, #tpu.memory_space<semaphore_mem>>
    %dma_wait3A_53 = arith.constant 0 : i32
    %dma_wait3A_54 = tpu.memref_slice %arg4[%dma_wait3A_53] : memref<320000xi32, #tpu.memory_space<hbm>> -> memref<104xi32, #tpu.memory_space<hbm>>
    tpu.wait_dma2 semaphore(%dma_wait3A_52 : memref<!tpu.dma_semaphore, #tpu.memory_space<semaphore_mem>>) src(%dma_wait3A_54 : memref<104xi32, #tpu.memory_space<hbm>>) dst(%arg10 : memref<104xi32, #tpu.memory_space<vmem>>)
    %dma_start3A_55 = arith.constant 1 : i32
    %dma_start3A_56 = arith.constant 0 : i32
    %dma_start3A_57 = arith.constant 0 : i32
    %dma_start3A_58 = tpu.memref_slice %arg2[%dma_start3A_56, %dma_start3A_57] : memref<10000x128xf32, #tpu.memory_space<hbm>> -> memref<10000x128xf32, #tpu.memory_space<hbm>>
    %dma_start3A_59 = tpu.memref_slice %arg20[%dma_start3A_55] : memref<3x!tpu.dma_semaphore, #tpu.memory_space<semaphore_mem>> -> memref<1x!tpu.dma_semaphore, #tpu.memory_space<semaphore_mem>>
    %dma_start3A_60 = tpu.memref_squeeze %dma_start3A_59 : memref<1x!tpu.dma_semaphore, #tpu.memory_space<semaphore_mem>> -> memref<!tpu.dma_semaphore, #tpu.memory_space<semaphore_mem>>
    tpu.enqueue_indirect_dma source(%dma_start3A_58 : memref<10000x128xf32, #tpu.memory_space<hbm>>) target(%arg13 : memref<104x128xf32, #tpu.memory_space<vmem>>) offsets(%arg7 : memref<104xi32, #tpu.memory_space<vmem>>) semaphore(%dma_start3A_60 : memref<!tpu.dma_semaphore, #tpu.memory_space<semaphore_mem>>)
    %scan3A = arith.constant 0 : i32
    %scan3A_61 = arith.constant 0 : i32
    %scan3A_62 = arith.constant 832 : i32
    %scan3A_63 = arith.addi %scan3A_61, %scan3A_62 : i32
    %scan3A_64 = arith.constant 1 : i32
    %scan3A_65 = scf.for %scan3A_135 = %scan3A_61 to %scan3A_63 step %scan3A_64 iter_args(%scan3A_136 = %scan3A) -> (i32)  : i32 {
      %broadcast_in_dim3A = arith.constant 0.000000e+00 : f32
      %broadcast_in_dim3A_137 = vector.broadcast %broadcast_in_dim3A : f32 to vector<16xf32>
      %jit3A = arith.constant 8 : i32
      %div3A = arith.divsi %scan3A_135, %jit3A : i32
      %sign3A = arith.constant 0 : i32
      %sign3A_138 = arith.cmpi sgt, %scan3A_135, %sign3A : i32
      %sign3A_139 = arith.extui %sign3A_138 : i1 to i32
      %sign3A_140 = arith.constant 0 : i32
      %sign3A_141 = arith.cmpi slt, %scan3A_135, %sign3A_140 : i32
      %sign3A_142 = arith.extui %sign3A_141 : i1 to i32
      %sign3A_143 = arith.subi %sign3A_139, %sign3A_142 : i32
      %sign3A_144 = arith.constant 0 : i32
      %sign3A_145 = arith.cmpi sgt, %jit3A, %sign3A_144 : i32
      %sign3A_146 = arith.extui %sign3A_145 : i1 to i32
      %sign3A_147 = arith.constant 0 : i32
      %sign3A_148 = arith.cmpi slt, %jit3A, %sign3A_147 : i32
      %sign3A_149 = arith.extui %sign3A_148 : i1 to i32
      %sign3A_150 = arith.subi %sign3A_146, %sign3A_149 : i32
      %ne3A = arith.cmpi ne, %sign3A_143, %sign3A_150 : i32
      %rem3A = arith.remsi %scan3A_135, %jit3A : i32
      %ne3A_151 = arith.constant 0 : i32
      %ne3A_152 = arith.cmpi ne, %rem3A, %ne3A_151 : i32
      %and3A = arith.andi %ne3A, %ne3A_152 : i1
      %sub3A = arith.constant 1 : i32
      %sub3A_153 = arith.subi %div3A, %sub3A : i32
      %select_n3A = arith.select %and3A, %sub3A_153, %div3A : i32
      %jit3A_154 = arith.constant 8 : i32
      %eq3A_155 = arith.constant 0 : i32
      %eq3A_156 = arith.cmpi eq, %jit3A_154, %eq3A_155 : i32
      %jit3A_157 = arith.constant 1 : i32
      %select_n3A_158 = arith.select %eq3A_156, %jit3A_157, %jit3A_154 : i32
      %rem3A_159 = arith.remsi %scan3A_135, %select_n3A_158 : i32
      %ne3A_160 = arith.constant 0 : i32
      %ne3A_161 = arith.cmpi ne, %rem3A_159, %ne3A_160 : i32
      %lt3A_162 = arith.constant 0 : i32
      %lt3A_163 = arith.cmpi slt, %rem3A_159, %lt3A_162 : i32
      %lt3A_164 = arith.constant 0 : i32
      %lt3A_165 = arith.cmpi slt, %select_n3A_158, %lt3A_164 : i32
      %ne3A_166 = arith.xori %lt3A_163, %lt3A_165 : i1
      %and3A_167 = arith.andi %ne3A_166, %ne3A_161 : i1
      %add3A_168 = arith.addi %rem3A_159, %select_n3A_158 : i32
      %select_n3A_169 = arith.select %and3A_167, %add3A_168, %rem3A_159 : i32
      %mul3A_170 = arith.constant 16 : i32
      %mul3A_171 = arith.muli %select_n3A_169, %mul3A_170 : i32
      %swap3A = arith.index_cast %select_n3A : i32 to index
      %swap3A_172 = arith.index_cast %mul3A_171 : i32 to index
      %swap3A_173 = tpu.vector_load %arg12[%swap3A, %swap3A_172] {strides = array<i32>} : memref<104x128xf32, #tpu.memory_space<vmem>>, vector<1x16xf32>,
      %swap3A_174 = vector.shape_cast %swap3A_173 : vector<1x16xf32> to vector<16xf32>
      %swap3A_175 = vector.shape_cast %broadcast_in_dim3A_137 : vector<16xf32> to vector<1x16xf32>
      tpu.vector_store %arg12[%swap3A, %swap3A_172], %swap3A_175 {strides = array<i32>} : memref<104x128xf32, #tpu.memory_space<vmem>>, vector<1x16xf32>,
      %scan3A_176 = arith.constant 0 : i32
      scf.yield %scan3A_176 : i32
    }
    %scan3A_66 = arith.constant 832 : i32
    %scan3A_67 = arith.constant 0 : i32
    %scan3A_68 = arith.constant 0 : i32
    %scan3A_69 = arith.constant 6 : i32
    %scan3A_70 = arith.addi %scan3A_68, %scan3A_69 : i32
    %scan3A_71 = arith.constant 1 : i32
    %scan3A_72 = scf.for %scan3A_135 = %scan3A_68 to %scan3A_70 step %scan3A_71 iter_args(%scan3A_136 = %scan3A_67) -> (i32)  : i32 {
      %mul3A_137 = arith.constant 624 : i32
      %mul3A_138 = arith.muli %arg1, %mul3A_137 : i32
      %mul3A_139 = arith.constant 104 : i32
      %mul3A_140 = arith.muli %scan3A_135, %mul3A_139 : i32
      %add3A_141 = arith.addi %mul3A_138, %mul3A_140 : i32
      "tpu.region"() ({
        %run_scoped3A = tpu.sem_alloc : memref<!tpu.dma_semaphore, #tpu.memory_space<semaphore_mem>>
        %dma_start3A_143 = arith.constant 0 : i32
        %dma_start3A_144 = tpu.memref_slice %arg17[%add3A_141, %dma_start3A_143] : memref<10000x128xf32, #tpu.memory_space<vmem_shared>> -> memref<104x128xf32, #tpu.memory_space<vmem_shared>>
        %dma_start3A_145 = arith.constant 0 : i32
        %dma_start3A_146 = tpu.memref_slice %arg17[%add3A_141, %dma_start3A_145] : memref<10000x128xf32, #tpu.memory_space<vmem_shared>> -> memref<104x128xf32, #tpu.memory_space<vmem_shared>>
        tpu.enqueue_dma source(%arg12 : memref<104x128xf32, #tpu.memory_space<vmem>>) target(%dma_start3A_146 : memref<104x128xf32, #tpu.memory_space<vmem_shared>>) target_semaphore(%run_scoped3A : memref<!tpu.dma_semaphore, #tpu.memory_space<semaphore_mem>>)
        %dma_wait3A_147 = arith.constant 0 : i32
        %dma_wait3A_148 = tpu.memref_slice %arg17[%add3A_141, %dma_wait3A_147] : memref<10000x128xf32, #tpu.memory_space<vmem_shared>> -> memref<104x128xf32, #tpu.memory_space<vmem_shared>>
        %dma_wait3A_149 = arith.constant 0 : i32
        %dma_wait3A_150 = tpu.memref_slice %arg17[%add3A_141, %dma_wait3A_149] : memref<10000x128xf32, #tpu.memory_space<vmem_shared>> -> memref<104x128xf32, #tpu.memory_space<vmem_shared>>
        tpu.wait_dma2 semaphore(%run_scoped3A : memref<!tpu.dma_semaphore, #tpu.memory_space<semaphore_mem>>) src(%arg12 : memref<104x128xf32, #tpu.memory_space<vmem>>) dst(%dma_wait3A_150 : memref<104x128xf32, #tpu.memory_space<vmem_shared>>)
        tpu.yield
      }) : () -> ()
      %scan3A_142 = arith.constant 0 : i32
      scf.yield %scan3A_142 : i32
    }
    %scan3A_73 = arith.constant 6 : i32
    %eq3A = arith.constant 15 : i32
    %eq3A_74 = arith.cmpi eq, %arg1, %eq3A : i32
    %convert_element_type3A = arith.extui %eq3A_74 : i1 to i32
    %cond3A = arith.constant 0 : i32
    %cond3A_75 = arith.cmpi ne, %convert_element_type3A, %cond3A : i32
    scf.if %cond3A_75 {
      "tpu.region"() ({
        %run_scoped3A = tpu.sem_alloc : memref<!tpu.dma_semaphore, #tpu.memory_space<semaphore_mem>>
        %dma_start3A_135 = arith.constant 0 : i32
        %dma_start3A_136 = arith.constant 0 : i32
        %dma_start3A_137 = tpu.memref_slice %arg12[%dma_start3A_135, %dma_start3A_136] : memref<104x128xf32, #tpu.memory_space<vmem>> -> memref<16x128xf32, #tpu.memory_space<vmem>>
        %dma_start3A_138 = arith.constant 9984 : i32
        %dma_start3A_139 = arith.constant 0 : i32
        %dma_start3A_140 = tpu.memref_slice %arg17[%dma_start3A_138, %dma_start3A_139] : memref<10000x128xf32, #tpu.memory_space<vmem_shared>> -> memref<16x128xf32, #tpu.memory_space<vmem_shared>>
        %dma_start3A_141 = arith.constant 9984 : i32
        %dma_start3A_142 = arith.constant 0 : i32
        %dma_start3A_143 = tpu.memref_slice %arg17[%dma_start3A_141, %dma_start3A_142] : memref<10000x128xf32, #tpu.memory_space<vmem_shared>> -> memref<16x128xf32, #tpu.memory_space<vmem_shared>>
        %dma_start3A_144 = arith.constant 0 : i32
        %dma_start3A_145 = arith.constant 0 : i32
        %dma_start3A_146 = tpu.memref_slice %arg12[%dma_start3A_144, %dma_start3A_145] : memref<104x128xf32, #tpu.memory_space<vmem>> -> memref<16x128xf32, #tpu.memory_space<vmem>>
        tpu.enqueue_dma source(%dma_start3A_146 : memref<16x128xf32, #tpu.memory_space<vmem>>) target(%dma_start3A_143 : memref<16x128xf32, #tpu.memory_space<vmem_shared>>) target_semaphore(%run_scoped3A : memref<!tpu.dma_semaphore, #tpu.memory_space<semaphore_mem>>)
        %dma_wait3A_147 = arith.constant 0 : i32
        %dma_wait3A_148 = arith.constant 0 : i32
        %dma_wait3A_149 = tpu.memref_slice %arg12[%dma_wait3A_147, %dma_wait3A_148] : memref<104x128xf32, #tpu.memory_space<vmem>> -> memref<16x128xf32, #tpu.memory_space<vmem>>
        %dma_wait3A_150 = arith.constant 9984 : i32
        %dma_wait3A_151 = arith.constant 0 : i32
        %dma_wait3A_152 = tpu.memref_slice %arg17[%dma_wait3A_150, %dma_wait3A_151] : memref<10000x128xf32, #tpu.memory_space<vmem_shared>> -> memref<16x128xf32, #tpu.memory_space<vmem_shared>>
        %dma_wait3A_153 = arith.constant 9984 : i32
        %dma_wait3A_154 = arith.constant 0 : i32
        %dma_wait3A_155 = tpu.memref_slice %arg17[%dma_wait3A_153, %dma_wait3A_154] : memref<10000x128xf32, #tpu.memory_space<vmem_shared>> -> memref<16x128xf32, #tpu.memory_space<vmem_shared>>
        %dma_wait3A_156 = arith.constant 0 : i32
        %dma_wait3A_157 = arith.constant 0 : i32
        %dma_wait3A_158 = tpu.memref_slice %arg12[%dma_wait3A_156, %dma_wait3A_157] : memref<104x128xf32, #tpu.memory_space<vmem>> -> memref<16x128xf32, #tpu.memory_space<vmem>>
        tpu.wait_dma2 semaphore(%run_scoped3A : memref<!tpu.dma_semaphore, #tpu.memory_space<semaphore_mem>>) src(%dma_wait3A_158 : memref<16x128xf32, #tpu.memory_space<vmem>>) dst(%dma_wait3A_155 : memref<16x128xf32, #tpu.memory_space<vmem_shared>>)
        tpu.yield
      }) : () -> ()
    } else {
    }
    %barrier3A = arith.constant 0 : index
    tpu.barrier barrier_id(%barrier3A)
    %dma_wait3A_76 = arith.constant 0 : i32
    %dma_wait3A_77 = arith.constant 0 : i32
    %dma_wait3A_78 = tpu.memref_slice %arg3[%dma_wait3A_77] : memref<320000xi32, #tpu.memory_space<hbm>> -> memref<104xi32, #tpu.memory_space<hbm>>
    %dma_wait3A_79 = tpu.memref_slice %arg18[%dma_wait3A_76] : memref<3x!tpu.dma_semaphore, #tpu.memory_space<semaphore_mem>> -> memref<1x!tpu.dma_semaphore, #tpu.memory_space<semaphore_mem>>
    %dma_wait3A_80 = tpu.memref_squeeze %dma_wait3A_79 : memref<1x!tpu.dma_semaphore, #tpu.memory_space<semaphore_mem>> -> memref<!tpu.dma_semaphore, #tpu.memory_space<semaphore_mem>>
    %dma_wait3A_81 = arith.constant 0 : i32
    %dma_wait3A_82 = tpu.memref_slice %arg3[%dma_wait3A_81] : memref<320000xi32, #tpu.memory_space<hbm>> -> memref<104xi32, #tpu.memory_space<hbm>>
    tpu.wait_dma2 semaphore(%dma_wait3A_80 : memref<!tpu.dma_semaphore, #tpu.memory_space<semaphore_mem>>) src(%dma_wait3A_82 : memref<104xi32, #tpu.memory_space<hbm>>) dst(%arg6 : memref<104xi32, #tpu.memory_space<vmem>>)
    %dma_wait3A_83 = arith.constant 0 : i32
    %dma_wait3A_84 = arith.constant 0 : i32
    %dma_wait3A_85 = tpu.memref_slice %arg4[%dma_wait3A_84] : memref<320000xi32, #tpu.memory_space<hbm>> -> memref<104xi32, #tpu.memory_space<hbm>>
    %dma_wait3A_86 = tpu.memref_slice %arg19[%dma_wait3A_83] : memref<3x!tpu.dma_semaphore, #tpu.memory_space<semaphore_mem>> -> memref<1x!tpu.dma_semaphore, #tpu.memory_space<semaphore_mem>>
    %dma_wait3A_87 = tpu.memref_squeeze %dma_wait3A_86 : memref<1x!tpu.dma_semaphore, #tpu.memory_space<semaphore_mem>> -> memref<!tpu.dma_semaphore, #tpu.memory_space<semaphore_mem>>
    %dma_wait3A_88 = arith.constant 0 : i32
    %dma_wait3A_89 = tpu.memref_slice %arg4[%dma_wait3A_88] : memref<320000xi32, #tpu.memory_space<hbm>> -> memref<104xi32, #tpu.memory_space<hbm>>
    tpu.wait_dma2 semaphore(%dma_wait3A_87 : memref<!tpu.dma_semaphore, #tpu.memory_space<semaphore_mem>>) src(%dma_wait3A_89 : memref<104xi32, #tpu.memory_space<hbm>>) dst(%arg9 : memref<104xi32, #tpu.memory_space<vmem>>)
    %dma_start3A_90 = arith.constant 0 : i32
    %dma_start3A_91 = arith.constant 0 : i32
    %dma_start3A_92 = arith.constant 0 : i32
    %dma_start3A_93 = tpu.memref_slice %arg2[%dma_start3A_91, %dma_start3A_92] : memref<10000x128xf32, #tpu.memory_space<hbm>> -> memref<10000x128xf32, #tpu.memory_space<hbm>>
    %dma_start3A_94 = tpu.memref_slice %arg20[%dma_start3A_90] : memref<3x!tpu.dma_semaphore, #tpu.memory_space<semaphore_mem>> -> memref<1x!tpu.dma_semaphore, #tpu.memory_space<semaphore_mem>>
    %dma_start3A_95 = tpu.memref_squeeze %dma_start3A_94 : memref<1x!tpu.dma_semaphore, #tpu.memory_space<semaphore_mem>> -> memref<!tpu.dma_semaphore, #tpu.memory_space<semaphore_mem>>
    tpu.enqueue_indirect_dma source(%dma_start3A_93 : memref<10000x128xf32, #tpu.memory_space<hbm>>) target(%arg12 : memref<104x128xf32, #tpu.memory_space<vmem>>) offsets(%arg6 : memref<104xi32, #tpu.memory_space<vmem>>) semaphore(%dma_start3A_95 : memref<!tpu.dma_semaphore, #tpu.memory_space<semaphore_mem>>)
    %scan3A_96 = arith.constant 0 : i32
    %scan3A_97 = arith.constant 0 : i32
    %scan3A_98 = arith.constant 32 : i32
    %scan3A_99 = arith.addi %scan3A_97, %scan3A_98 : i32
    %scan3A_100 = arith.constant 1 : i32
    %scan3A_101 = scf.for %scan3A_135 = %scan3A_97 to %scan3A_99 step %scan3A_100 iter_args(%scan3A_136 = %scan3A_96) -> (i32)  : i32 {
      %mul3A_137 = arith.constant 3 : i32
      %mul3A_138 = arith.muli %mul3A_137, %scan3A_135 : i32
      %dma_wait3A_139 = arith.constant 0 : i32
      %dma_wait3A_140 = arith.constant 0 : i32
      %dma_wait3A_141 = arith.constant 0 : i32
      %dma_wait3A_142 = tpu.memref_slice %arg2[%dma_wait3A_140, %dma_wait3A_141] : memref<10000x128xf32, #tpu.memory_space<hbm>> -> memref<10000x128xf32, #tpu.memory_space<hbm>>
      %dma_wait3A_143 = tpu.memref_slice %arg20[%dma_wait3A_139] : memref<3x!tpu.dma_semaphore, #tpu.memory_space<semaphore_mem>> -> memref<1x!tpu.dma_semaphore, #tpu.memory_space<semaphore_mem>>
      %dma_wait3A_144 = tpu.memref_squeeze %dma_wait3A_143 : memref<1x!tpu.dma_semaphore, #tpu.memory_space<semaphore_mem>> -> memref<!tpu.dma_semaphore, #tpu.memory_space<semaphore_mem>>
      tpu.wait_indirect_dma semaphore(%dma_wait3A_144 : memref<!tpu.dma_semaphore, #tpu.memory_space<semaphore_mem>>) src(%dma_wait3A_142 : memref<10000x128xf32, #tpu.memory_space<hbm>>) dst(%arg12 : memref<104x128xf32, #tpu.memory_space<vmem>>)
      %dma_start3A_145 = arith.constant 0 : i32
      %dma_start3A_146 = arith.constant 0 : i32
      %dma_start3A_147 = arith.constant 0 : i32
      %dma_start3A_148 = tpu.memref_slice %arg17[%dma_start3A_146, %dma_start3A_147] : memref<10000x128xf32, #tpu.memory_space<vmem_shared>> -> memref<10000x128xf32, #tpu.memory_space<vmem_shared>>
      %dma_start3A_149 = tpu.memref_slice %arg21[%dma_start3A_145] : memref<3x!tpu.dma_semaphore, #tpu.memory_space<semaphore_mem>> -> memref<1x!tpu.dma_semaphore, #tpu.memory_space<semaphore_mem>>
      %dma_start3A_150 = tpu.memref_squeeze %dma_start3A_149 : memref<1x!tpu.dma_semaphore, #tpu.memory_space<semaphore_mem>> -> memref<!tpu.dma_semaphore, #tpu.memory_space<semaphore_mem>>
      tpu.enqueue_indirect_dma source(%arg12 : memref<104x128xf32, #tpu.memory_space<vmem>>) target(%dma_start3A_148 : memref<10000x128xf32, #tpu.memory_space<vmem_shared>>) offsets(%arg9 : memref<104xi32, #tpu.memory_space<vmem>>) semaphore(%dma_start3A_150 : memref<!tpu.dma_semaphore, #tpu.memory_space<semaphore_mem>>) {add = true}
      %add3A_151 = arith.constant 3 : i32
      %add3A_152 = arith.addi %mul3A_138, %add3A_151 : i32
      %lt3A_153 = arith.constant 96 : i32
      %lt3A_154 = arith.cmpi slt, %add3A_152, %lt3A_153 : i32
      %convert_element_type3A_155 = arith.extui %lt3A_154 : i1 to i32
      %cond3A_156 = arith.constant 0 : i32
      %cond3A_157 = arith.cmpi ne, %convert_element_type3A_155, %cond3A_156 : i32
      scf.if %cond3A_157 {
        %add3A_226 = arith.constant 3 : i32
        %add3A_227 = arith.addi %mul3A_138, %add3A_226 : i32
        %mul3A_228 = arith.constant 9984 : i32
        %mul3A_229 = arith.muli %add3A, %mul3A_228 : i32
        %mul3A_230 = arith.constant 104 : i32
        %mul3A_231 = arith.muli %add3A_227, %mul3A_230 : i32
        %add3A_232 = arith.addi %mul3A_229, %mul3A_231 : i32
        %dma_start3A_233 = arith.constant 0 : i32
        %dma_start3A_234 = tpu.memref_slice %arg3[%add3A_232] : memref<320000xi32, #tpu.memory_space<hbm>> -> memref<104xi32, #tpu.memory_space<hbm>>
        %dma_start3A_235 = tpu.memref_slice %arg18[%dma_start3A_233] : memref<3x!tpu.dma_semaphore, #tpu.memory_space<semaphore_mem>> -> memref<1x!tpu.dma_semaphore, #tpu.memory_space<semaphore_mem>>
        %dma_start3A_236 = tpu.memref_squeeze %dma_start3A_235 : memref<1x!tpu.dma_semaphore, #tpu.memory_space<semaphore_mem>> -> memref<!tpu.dma_semaphore, #tpu.memory_space<semaphore_mem>>
        %dma_start3A_237 = tpu.memref_slice %arg3[%add3A_232] : memref<320000xi32, #tpu.memory_space<hbm>> -> memref<104xi32, #tpu.memory_space<hbm>>
        tpu.enqueue_dma source(%dma_start3A_237 : memref<104xi32, #tpu.memory_space<hbm>>) target(%arg6 : memref<104xi32, #tpu.memory_space<vmem>>) target_semaphore(%dma_start3A_236 : memref<!tpu.dma_semaphore, #tpu.memory_space<semaphore_mem>>)
        %dma_start3A_238 = arith.constant 0 : i32
        %dma_start3A_239 = tpu.memref_slice %arg4[%add3A_232] : memref<320000xi32, #tpu.memory_space<hbm>> -> memref<104xi32, #tpu.memory_space<hbm>>
        %dma_start3A_240 = tpu.memref_slice %arg19[%dma_start3A_238] : memref<3x!tpu.dma_semaphore, #tpu.memory_space<semaphore_mem>> -> memref<1x!tpu.dma_semaphore, #tpu.memory_space<semaphore_mem>>
        %dma_start3A_241 = tpu.memref_squeeze %dma_start3A_240 : memref<1x!tpu.dma_semaphore, #tpu.memory_space<semaphore_mem>> -> memref<!tpu.dma_semaphore, #tpu.memory_space<semaphore_mem>>
        %dma_start3A_242 = tpu.memref_slice %arg4[%add3A_232] : memref<320000xi32, #tpu.memory_space<hbm>> -> memref<104xi32, #tpu.memory_space<hbm>>
        tpu.enqueue_dma source(%dma_start3A_242 : memref<104xi32, #tpu.memory_space<hbm>>) target(%arg9 : memref<104xi32, #tpu.memory_space<vmem>>) target_semaphore(%dma_start3A_241 : memref<!tpu.dma_semaphore, #tpu.memory_space<semaphore_mem>>)
      } else {
      }
      %add3A_158 = arith.constant 2 : i32
      %add3A_159 = arith.addi %mul3A_138, %add3A_158 : i32
      %lt3A_160 = arith.constant 96 : i32
      %lt3A_161 = arith.cmpi slt, %add3A_159, %lt3A_160 : i32
      %convert_element_type3A_162 = arith.extui %lt3A_161 : i1 to i32
      %cond3A_163 = arith.constant 0 : i32
      %cond3A_164 = arith.cmpi ne, %convert_element_type3A_162, %cond3A_163 : i32
      scf.if %cond3A_164 {
        %dma_wait3A_226 = arith.constant 2 : i32
        %dma_wait3A_227 = arith.constant 0 : i32
        %dma_wait3A_228 = tpu.memref_slice %arg3[%dma_wait3A_227] : memref<320000xi32, #tpu.memory_space<hbm>> -> memref<104xi32, #tpu.memory_space<hbm>>
        %dma_wait3A_229 = tpu.memref_slice %arg18[%dma_wait3A_226] : memref<3x!tpu.dma_semaphore, #tpu.memory_space<semaphore_mem>> -> memref<1x!tpu.dma_semaphore, #tpu.memory_space<semaphore_mem>>
        %dma_wait3A_230 = tpu.memref_squeeze %dma_wait3A_229 : memref<1x!tpu.dma_semaphore, #tpu.memory_space<semaphore_mem>> -> memref<!tpu.dma_semaphore, #tpu.memory_space<semaphore_mem>>
        %dma_wait3A_231 = arith.constant 0 : i32
        %dma_wait3A_232 = tpu.memref_slice %arg3[%dma_wait3A_231] : memref<320000xi32, #tpu.memory_space<hbm>> -> memref<104xi32, #tpu.memory_space<hbm>>
        tpu.wait_dma2 semaphore(%dma_wait3A_230 : memref<!tpu.dma_semaphore, #tpu.memory_space<semaphore_mem>>) src(%dma_wait3A_232 : memref<104xi32, #tpu.memory_space<hbm>>) dst(%arg8 : memref<104xi32, #tpu.memory_space<vmem>>)
        %dma_wait3A_233 = arith.constant 2 : i32
        %dma_wait3A_234 = arith.constant 0 : i32
        %dma_wait3A_235 = tpu.memref_slice %arg4[%dma_wait3A_234] : memref<320000xi32, #tpu.memory_space<hbm>> -> memref<104xi32, #tpu.memory_space<hbm>>
        %dma_wait3A_236 = tpu.memref_slice %arg19[%dma_wait3A_233] : memref<3x!tpu.dma_semaphore, #tpu.memory_space<semaphore_mem>> -> memref<1x!tpu.dma_semaphore, #tpu.memory_space<semaphore_mem>>
        %dma_wait3A_237 = tpu.memref_squeeze %dma_wait3A_236 : memref<1x!tpu.dma_semaphore, #tpu.memory_space<semaphore_mem>> -> memref<!tpu.dma_semaphore, #tpu.memory_space<semaphore_mem>>
        %dma_wait3A_238 = arith.constant 0 : i32
        %dma_wait3A_239 = tpu.memref_slice %arg4[%dma_wait3A_238] : memref<320000xi32, #tpu.memory_space<hbm>> -> memref<104xi32, #tpu.memory_space<hbm>>
        tpu.wait_dma2 semaphore(%dma_wait3A_237 : memref<!tpu.dma_semaphore, #tpu.memory_space<semaphore_mem>>) src(%dma_wait3A_239 : memref<104xi32, #tpu.memory_space<hbm>>) dst(%arg11 : memref<104xi32, #tpu.memory_space<vmem>>)
        %ge3A = arith.constant 1 : i32
        %ge3A_240 = arith.cmpi sge, %mul3A_138, %ge3A : i32
        %convert_element_type3A_241 = arith.extui %ge3A_240 : i1 to i32
        %cond3A_242 = arith.constant 0 : i32
        %cond3A_243 = arith.cmpi ne, %convert_element_type3A_241, %cond3A_242 : i32
        scf.if %cond3A_243 {
          %dma_wait3A_250 = arith.constant 2 : i32
          %dma_wait3A_251 = arith.constant 0 : i32
          %dma_wait3A_252 = arith.constant 0 : i32
          %dma_wait3A_253 = tpu.memref_slice %arg17[%dma_wait3A_251, %dma_wait3A_252] : memref<10000x128xf32, #tpu.memory_space<vmem_shared>> -> memref<10000x128xf32, #tpu.memory_space<vmem_shared>>
          %dma_wait3A_254 = tpu.memref_slice %arg21[%dma_wait3A_250] : memref<3x!tpu.dma_semaphore, #tpu.memory_space<semaphore_mem>> -> memref<1x!tpu.dma_semaphore, #tpu.memory_space<semaphore_mem>>
          %dma_wait3A_255 = tpu.memref_squeeze %dma_wait3A_254 : memref<1x!tpu.dma_semaphore, #tpu.memory_space<semaphore_mem>> -> memref<!tpu.dma_semaphore, #tpu.memory_space<semaphore_mem>>
          tpu.wait_indirect_dma semaphore(%dma_wait3A_255 : memref<!tpu.dma_semaphore, #tpu.memory_space<semaphore_mem>>) src(%arg14 : memref<104x128xf32, #tpu.memory_space<vmem>>) dst(%dma_wait3A_253 : memref<10000x128xf32, #tpu.memory_space<vmem_shared>>)
        } else {
        }
        %dma_start3A_244 = arith.constant 2 : i32
        %dma_start3A_245 = arith.constant 0 : i32
        %dma_start3A_246 = arith.constant 0 : i32
        %dma_start3A_247 = tpu.memref_slice %arg2[%dma_start3A_245, %dma_start3A_246] : memref<10000x128xf32, #tpu.memory_space<hbm>> -> memref<10000x128xf32, #tpu.memory_space<hbm>>
        %dma_start3A_248 = tpu.memref_slice %arg20[%dma_start3A_244] : memref<3x!tpu.dma_semaphore, #tpu.memory_space<semaphore_mem>> -> memref<1x!tpu.dma_semaphore, #tpu.memory_space<semaphore_mem>>
        %dma_start3A_249 = tpu.memref_squeeze %dma_start3A_248 : memref<1x!tpu.dma_semaphore, #tpu.memory_space<semaphore_mem>> -> memref<!tpu.dma_semaphore, #tpu.memory_space<semaphore_mem>>
        tpu.enqueue_indirect_dma source(%dma_start3A_247 : memref<10000x128xf32, #tpu.memory_space<hbm>>) target(%arg14 : memref<104x128xf32, #tpu.memory_space<vmem>>) offsets(%arg8 : memref<104xi32, #tpu.memory_space<vmem>>) semaphore(%dma_start3A_249 : memref<!tpu.dma_semaphore, #tpu.memory_space<semaphore_mem>>)
      } else {
      }
      %mul3A_165 = arith.constant 3 : i32
      %mul3A_166 = arith.muli %mul3A_165, %scan3A_135 : i32
      %add3A_167 = arith.constant 1 : i32
      %add3A_168 = arith.addi %mul3A_166, %add3A_167 : i32
      %dma_wait3A_169 = arith.constant 1 : i32
      %dma_wait3A_170 = arith.constant 0 : i32
      %dma_wait3A_171 = arith.constant 0 : i32
      %dma_wait3A_172 = tpu.memref_slice %arg2[%dma_wait3A_170, %dma_wait3A_171] : memref<10000x128xf32, #tpu.memory_space<hbm>> -> memref<10000x128xf32, #tpu.memory_space<hbm>>
      %dma_wait3A_173 = tpu.memref_slice %arg20[%dma_wait3A_169] : memref<3x!tpu.dma_semaphore, #tpu.memory_space<semaphore_mem>> -> memref<1x!tpu.dma_semaphore, #tpu.memory_space<semaphore_mem>>
      %dma_wait3A_174 = tpu.memref_squeeze %dma_wait3A_173 : memref<1x!tpu.dma_semaphore, #tpu.memory_space<semaphore_mem>> -> memref<!tpu.dma_semaphore, #tpu.memory_space<semaphore_mem>>
      tpu.wait_indirect_dma semaphore(%dma_wait3A_174 : memref<!tpu.dma_semaphore, #tpu.memory_space<semaphore_mem>>) src(%dma_wait3A_172 : memref<10000x128xf32, #tpu.memory_space<hbm>>) dst(%arg13 : memref<104x128xf32, #tpu.memory_space<vmem>>)
      %dma_start3A_175 = arith.constant 1 : i32
      %dma_start3A_176 = arith.constant 0 : i32
      %dma_start3A_177 = arith.constant 0 : i32
      %dma_start3A_178 = tpu.memref_slice %arg17[%dma_start3A_176, %dma_start3A_177] : memref<10000x128xf32, #tpu.memory_space<vmem_shared>> -> memref<10000x128xf32, #tpu.memory_space<vmem_shared>>
      %dma_start3A_179 = tpu.memref_slice %arg21[%dma_start3A_175] : memref<3x!tpu.dma_semaphore, #tpu.memory_space<semaphore_mem>> -> memref<1x!tpu.dma_semaphore, #tpu.memory_space<semaphore_mem>>
      %dma_start3A_180 = tpu.memref_squeeze %dma_start3A_179 : memref<1x!tpu.dma_semaphore, #tpu.memory_space<semaphore_mem>> -> memref<!tpu.dma_semaphore, #tpu.memory_space<semaphore_mem>>
      tpu.enqueue_indirect_dma source(%arg13 : memref<104x128xf32, #tpu.memory_space<vmem>>) target(%dma_start3A_178 : memref<10000x128xf32, #tpu.memory_space<vmem_shared>>) offsets(%arg10 : memref<104xi32, #tpu.memory_space<vmem>>) semaphore(%dma_start3A_180 : memref<!tpu.dma_semaphore, #tpu.memory_space<semaphore_mem>>) {add = true}
      %add3A_181 = arith.constant 3 : i32
      %add3A_182 = arith.addi %add3A_168, %add3A_181 : i32
      %lt3A_183 = arith.constant 96 : i32
      %lt3A_184 = arith.cmpi slt, %add3A_182, %lt3A_183 : i32
      %convert_element_type3A_185 = arith.extui %lt3A_184 : i1 to i32
      %cond3A_186 = arith.constant 0 : i32
      %cond3A_187 = arith.cmpi ne, %convert_element_type3A_185, %cond3A_186 : i32
      scf.if %cond3A_187 {
        %add3A_226 = arith.constant 3 : i32
        %add3A_227 = arith.addi %add3A_168, %add3A_226 : i32
        %mul3A_228 = arith.constant 9984 : i32
        %mul3A_229 = arith.muli %add3A, %mul3A_228 : i32
        %mul3A_230 = arith.constant 104 : i32
        %mul3A_231 = arith.muli %add3A_227, %mul3A_230 : i32
        %add3A_232 = arith.addi %mul3A_229, %mul3A_231 : i32
        %dma_start3A_233 = arith.constant 1 : i32
        %dma_start3A_234 = tpu.memref_slice %arg3[%add3A_232] : memref<320000xi32, #tpu.memory_space<hbm>> -> memref<104xi32, #tpu.memory_space<hbm>>
        %dma_start3A_235 = tpu.memref_slice %arg18[%dma_start3A_233] : memref<3x!tpu.dma_semaphore, #tpu.memory_space<semaphore_mem>> -> memref<1x!tpu.dma_semaphore, #tpu.memory_space<semaphore_mem>>
        %dma_start3A_236 = tpu.memref_squeeze %dma_start3A_235 : memref<1x!tpu.dma_semaphore, #tpu.memory_space<semaphore_mem>> -> memref<!tpu.dma_semaphore, #tpu.memory_space<semaphore_mem>>
        %dma_start3A_237 = tpu.memref_slice %arg3[%add3A_232] : memref<320000xi32, #tpu.memory_space<hbm>> -> memref<104xi32, #tpu.memory_space<hbm>>
        tpu.enqueue_dma source(%dma_start3A_237 : memref<104xi32, #tpu.memory_space<hbm>>) target(%arg7 : memref<104xi32, #tpu.memory_space<vmem>>) target_semaphore(%dma_start3A_236 : memref<!tpu.dma_semaphore, #tpu.memory_space<semaphore_mem>>)
        %dma_start3A_238 = arith.constant 1 : i32
        %dma_start3A_239 = tpu.memref_slice %arg4[%add3A_232] : memref<320000xi32, #tpu.memory_space<hbm>> -> memref<104xi32, #tpu.memory_space<hbm>>
        %dma_start3A_240 = tpu.memref_slice %arg19[%dma_start3A_238] : memref<3x!tpu.dma_semaphore, #tpu.memory_space<semaphore_mem>> -> memref<1x!tpu.dma_semaphore, #tpu.memory_space<semaphore_mem>>
        %dma_start3A_241 = tpu.memref_squeeze %dma_start3A_240 : memref<1x!tpu.dma_semaphore, #tpu.memory_space<semaphore_mem>> -> memref<!tpu.dma_semaphore, #tpu.memory_space<semaphore_mem>>
        %dma_start3A_242 = tpu.memref_slice %arg4[%add3A_232] : memref<320000xi32, #tpu.memory_space<hbm>> -> memref<104xi32, #tpu.memory_space<hbm>>
        tpu.enqueue_dma source(%dma_start3A_242 : memref<104xi32, #tpu.memory_space<hbm>>) target(%arg10 : memref<104xi32, #tpu.memory_space<vmem>>) target_semaphore(%dma_start3A_241 : memref<!tpu.dma_semaphore, #tpu.memory_space<semaphore_mem>>)
      } else {
      }
      %add3A_188 = arith.constant 2 : i32
      %add3A_189 = arith.addi %add3A_168, %add3A_188 : i32
      %lt3A_190 = arith.constant 96 : i32
      %lt3A_191 = arith.cmpi slt, %add3A_189, %lt3A_190 : i32
      %convert_element_type3A_192 = arith.extui %lt3A_191 : i1 to i32
      %cond3A_193 = arith.constant 0 : i32
      %cond3A_194 = arith.cmpi ne, %convert_element_type3A_192, %cond3A_193 : i32
      scf.if %cond3A_194 {
        %dma_wait3A_226 = arith.constant 0 : i32
        %dma_wait3A_227 = arith.constant 0 : i32
        %dma_wait3A_228 = tpu.memref_slice %arg3[%dma_wait3A_227] : memref<320000xi32, #tpu.memory_space<hbm>> -> memref<104xi32, #tpu.memory_space<hbm>>
        %dma_wait3A_229 = tpu.memref_slice %arg18[%dma_wait3A_226] : memref<3x!tpu.dma_semaphore, #tpu.memory_space<semaphore_mem>> -> memref<1x!tpu.dma_semaphore, #tpu.memory_space<semaphore_mem>>
        %dma_wait3A_230 = tpu.memref_squeeze %dma_wait3A_229 : memref<1x!tpu.dma_semaphore, #tpu.memory_space<semaphore_mem>> -> memref<!tpu.dma_semaphore, #tpu.memory_space<semaphore_mem>>
        %dma_wait3A_231 = arith.constant 0 : i32
        %dma_wait3A_232 = tpu.memref_slice %arg3[%dma_wait3A_231] : memref<320000xi32, #tpu.memory_space<hbm>> -> memref<104xi32, #tpu.memory_space<hbm>>
        tpu.wait_dma2 semaphore(%dma_wait3A_230 : memref<!tpu.dma_semaphore, #tpu.memory_space<semaphore_mem>>) src(%dma_wait3A_232 : memref<104xi32, #tpu.memory_space<hbm>>) dst(%arg6 : memref<104xi32, #tpu.memory_space<vmem>>)
        %dma_wait3A_233 = arith.constant 0 : i32
        %dma_wait3A_234 = arith.constant 0 : i32
        %dma_wait3A_235 = tpu.memref_slice %arg4[%dma_wait3A_234] : memref<320000xi32, #tpu.memory_space<hbm>> -> memref<104xi32, #tpu.memory_space<hbm>>
        %dma_wait3A_236 = tpu.memref_slice %arg19[%dma_wait3A_233] : memref<3x!tpu.dma_semaphore, #tpu.memory_space<semaphore_mem>> -> memref<1x!tpu.dma_semaphore, #tpu.memory_space<semaphore_mem>>
        %dma_wait3A_237 = tpu.memref_squeeze %dma_wait3A_236 : memref<1x!tpu.dma_semaphore, #tpu.memory_space<semaphore_mem>> -> memref<!tpu.dma_semaphore, #tpu.memory_space<semaphore_mem>>
        %dma_wait3A_238 = arith.constant 0 : i32
        %dma_wait3A_239 = tpu.memref_slice %arg4[%dma_wait3A_238] : memref<320000xi32, #tpu.memory_space<hbm>> -> memref<104xi32, #tpu.memory_space<hbm>>
        tpu.wait_dma2 semaphore(%dma_wait3A_237 : memref<!tpu.dma_semaphore, #tpu.memory_space<semaphore_mem>>) src(%dma_wait3A_239 : memref<104xi32, #tpu.memory_space<hbm>>) dst(%arg9 : memref<104xi32, #tpu.memory_space<vmem>>)
        %ge3A = arith.constant 1 : i32
        %ge3A_240 = arith.cmpi sge, %add3A_168, %ge3A : i32
        %convert_element_type3A_241 = arith.extui %ge3A_240 : i1 to i32
        %cond3A_242 = arith.constant 0 : i32
        %cond3A_243 = arith.cmpi ne, %convert_element_type3A_241, %cond3A_242 : i32
        scf.if %cond3A_243 {
          %dma_wait3A_250 = arith.constant 0 : i32
          %dma_wait3A_251 = arith.constant 0 : i32
          %dma_wait3A_252 = arith.constant 0 : i32
          %dma_wait3A_253 = tpu.memref_slice %arg17[%dma_wait3A_251, %dma_wait3A_252] : memref<10000x128xf32, #tpu.memory_space<vmem_shared>> -> memref<10000x128xf32, #tpu.memory_space<vmem_shared>>
          %dma_wait3A_254 = tpu.memref_slice %arg21[%dma_wait3A_250] : memref<3x!tpu.dma_semaphore, #tpu.memory_space<semaphore_mem>> -> memref<1x!tpu.dma_semaphore, #tpu.memory_space<semaphore_mem>>
          %dma_wait3A_255 = tpu.memref_squeeze %dma_wait3A_254 : memref<1x!tpu.dma_semaphore, #tpu.memory_space<semaphore_mem>> -> memref<!tpu.dma_semaphore, #tpu.memory_space<semaphore_mem>>
          tpu.wait_indirect_dma semaphore(%dma_wait3A_255 : memref<!tpu.dma_semaphore, #tpu.memory_space<semaphore_mem>>) src(%arg12 : memref<104x128xf32, #tpu.memory_space<vmem>>) dst(%dma_wait3A_253 : memref<10000x128xf32, #tpu.memory_space<vmem_shared>>)
        } else {
        }
        %dma_start3A_244 = arith.constant 0 : i32
        %dma_start3A_245 = arith.constant 0 : i32
        %dma_start3A_246 = arith.constant 0 : i32
        %dma_start3A_247 = tpu.memref_slice %arg2[%dma_start3A_245, %dma_start3A_246] : memref<10000x128xf32, #tpu.memory_space<hbm>> -> memref<10000x128xf32, #tpu.memory_space<hbm>>
        %dma_start3A_248 = tpu.memref_slice %arg20[%dma_start3A_244] : memref<3x!tpu.dma_semaphore, #tpu.memory_space<semaphore_mem>> -> memref<1x!tpu.dma_semaphore, #tpu.memory_space<semaphore_mem>>
        %dma_start3A_249 = tpu.memref_squeeze %dma_start3A_248 : memref<1x!tpu.dma_semaphore, #tpu.memory_space<semaphore_mem>> -> memref<!tpu.dma_semaphore, #tpu.memory_space<semaphore_mem>>
        tpu.enqueue_indirect_dma source(%dma_start3A_247 : memref<10000x128xf32, #tpu.memory_space<hbm>>) target(%arg12 : memref<104x128xf32, #tpu.memory_space<vmem>>) offsets(%arg6 : memref<104xi32, #tpu.memory_space<vmem>>) semaphore(%dma_start3A_249 : memref<!tpu.dma_semaphore, #tpu.memory_space<semaphore_mem>>)
      } else {
      }
      %mul3A_195 = arith.constant 3 : i32
      %mul3A_196 = arith.muli %mul3A_195, %scan3A_135 : i32
      %add3A_197 = arith.constant 2 : i32
      %add3A_198 = arith.addi %mul3A_196, %add3A_197 : i32
      %dma_wait3A_199 = arith.constant 2 : i32
      %dma_wait3A_200 = arith.constant 0 : i32
      %dma_wait3A_201 = arith.constant 0 : i32
      %dma_wait3A_202 = tpu.memref_slice %arg2[%dma_wait3A_200, %dma_wait3A_201] : memref<10000x128xf32, #tpu.memory_space<hbm>> -> memref<10000x128xf32, #tpu.memory_space<hbm>>
      %dma_wait3A_203 = tpu.memref_slice %arg20[%dma_wait3A_199] : memref<3x!tpu.dma_semaphore, #tpu.memory_space<semaphore_mem>> -> memref<1x!tpu.dma_semaphore, #tpu.memory_space<semaphore_mem>>
      %dma_wait3A_204 = tpu.memref_squeeze %dma_wait3A_203 : memref<1x!tpu.dma_semaphore, #tpu.memory_space<semaphore_mem>> -> memref<!tpu.dma_semaphore, #tpu.memory_space<semaphore_mem>>
      tpu.wait_indirect_dma semaphore(%dma_wait3A_204 : memref<!tpu.dma_semaphore, #tpu.memory_space<semaphore_mem>>) src(%dma_wait3A_202 : memref<10000x128xf32, #tpu.memory_space<hbm>>) dst(%arg14 : memref<104x128xf32, #tpu.memory_space<vmem>>)
      %dma_start3A_205 = arith.constant 2 : i32
      %dma_start3A_206 = arith.constant 0 : i32
      %dma_start3A_207 = arith.constant 0 : i32
      %dma_start3A_208 = tpu.memref_slice %arg17[%dma_start3A_206, %dma_start3A_207] : memref<10000x128xf32, #tpu.memory_space<vmem_shared>> -> memref<10000x128xf32, #tpu.memory_space<vmem_shared>>
      %dma_start3A_209 = tpu.memref_slice %arg21[%dma_start3A_205] : memref<3x!tpu.dma_semaphore, #tpu.memory_space<semaphore_mem>> -> memref<1x!tpu.dma_semaphore, #tpu.memory_space<semaphore_mem>>
      %dma_start3A_210 = tpu.memref_squeeze %dma_start3A_209 : memref<1x!tpu.dma_semaphore, #tpu.memory_space<semaphore_mem>> -> memref<!tpu.dma_semaphore, #tpu.memory_space<semaphore_mem>>
      tpu.enqueue_indirect_dma source(%arg14 : memref<104x128xf32, #tpu.memory_space<vmem>>) target(%dma_start3A_208 : memref<10000x128xf32, #tpu.memory_space<vmem_shared>>) offsets(%arg11 : memref<104xi32, #tpu.memory_space<vmem>>) semaphore(%dma_start3A_210 : memref<!tpu.dma_semaphore, #tpu.memory_space<semaphore_mem>>) {add = true}
      %add3A_211 = arith.constant 3 : i32
      %add3A_212 = arith.addi %add3A_198, %add3A_211 : i32
      %lt3A_213 = arith.constant 96 : i32
      %lt3A_214 = arith.cmpi slt, %add3A_212, %lt3A_213 : i32
      %convert_element_type3A_215 = arith.extui %lt3A_214 : i1 to i32
      %cond3A_216 = arith.constant 0 : i32
      %cond3A_217 = arith.cmpi ne, %convert_element_type3A_215, %cond3A_216 : i32
      scf.if %cond3A_217 {
        %add3A_226 = arith.constant 3 : i32
        %add3A_227 = arith.addi %add3A_198, %add3A_226 : i32
        %mul3A_228 = arith.constant 9984 : i32
        %mul3A_229 = arith.muli %add3A, %mul3A_228 : i32
        %mul3A_230 = arith.constant 104 : i32
        %mul3A_231 = arith.muli %add3A_227, %mul3A_230 : i32
        %add3A_232 = arith.addi %mul3A_229, %mul3A_231 : i32
        %dma_start3A_233 = arith.constant 2 : i32
        %dma_start3A_234 = tpu.memref_slice %arg3[%add3A_232] : memref<320000xi32, #tpu.memory_space<hbm>> -> memref<104xi32, #tpu.memory_space<hbm>>
        %dma_start3A_235 = tpu.memref_slice %arg18[%dma_start3A_233] : memref<3x!tpu.dma_semaphore, #tpu.memory_space<semaphore_mem>> -> memref<1x!tpu.dma_semaphore, #tpu.memory_space<semaphore_mem>>
        %dma_start3A_236 = tpu.memref_squeeze %dma_start3A_235 : memref<1x!tpu.dma_semaphore, #tpu.memory_space<semaphore_mem>> -> memref<!tpu.dma_semaphore, #tpu.memory_space<semaphore_mem>>
        %dma_start3A_237 = tpu.memref_slice %arg3[%add3A_232] : memref<320000xi32, #tpu.memory_space<hbm>> -> memref<104xi32, #tpu.memory_space<hbm>>
        tpu.enqueue_dma source(%dma_start3A_237 : memref<104xi32, #tpu.memory_space<hbm>>) target(%arg8 : memref<104xi32, #tpu.memory_space<vmem>>) target_semaphore(%dma_start3A_236 : memref<!tpu.dma_semaphore, #tpu.memory_space<semaphore_mem>>)
        %dma_start3A_238 = arith.constant 2 : i32
        %dma_start3A_239 = tpu.memref_slice %arg4[%add3A_232] : memref<320000xi32, #tpu.memory_space<hbm>> -> memref<104xi32, #tpu.memory_space<hbm>>
        %dma_start3A_240 = tpu.memref_slice %arg19[%dma_start3A_238] : memref<3x!tpu.dma_semaphore, #tpu.memory_space<semaphore_mem>> -> memref<1x!tpu.dma_semaphore, #tpu.memory_space<semaphore_mem>>
        %dma_start3A_241 = tpu.memref_squeeze %dma_start3A_240 : memref<1x!tpu.dma_semaphore, #tpu.memory_space<semaphore_mem>> -> memref<!tpu.dma_semaphore, #tpu.memory_space<semaphore_mem>>
        %dma_start3A_242 = tpu.memref_slice %arg4[%add3A_232] : memref<320000xi32, #tpu.memory_space<hbm>> -> memref<104xi32, #tpu.memory_space<hbm>>
        tpu.enqueue_dma source(%dma_start3A_242 : memref<104xi32, #tpu.memory_space<hbm>>) target(%arg11 : memref<104xi32, #tpu.memory_space<vmem>>) target_semaphore(%dma_start3A_241 : memref<!tpu.dma_semaphore, #tpu.memory_space<semaphore_mem>>)
      } else {
      }
      %add3A_218 = arith.constant 2 : i32
      %add3A_219 = arith.addi %add3A_198, %add3A_218 : i32
      %lt3A_220 = arith.constant 96 : i32
      %lt3A_221 = arith.cmpi slt, %add3A_219, %lt3A_220 : i32
      %convert_element_type3A_222 = arith.extui %lt3A_221 : i1 to i32
      %cond3A_223 = arith.constant 0 : i32
      %cond3A_224 = arith.cmpi ne, %convert_element_type3A_222, %cond3A_223 : i32
      scf.if %cond3A_224 {
        %dma_wait3A_226 = arith.constant 1 : i32
        %dma_wait3A_227 = arith.constant 0 : i32
        %dma_wait3A_228 = tpu.memref_slice %arg3[%dma_wait3A_227] : memref<320000xi32, #tpu.memory_space<hbm>> -> memref<104xi32, #tpu.memory_space<hbm>>
        %dma_wait3A_229 = tpu.memref_slice %arg18[%dma_wait3A_226] : memref<3x!tpu.dma_semaphore, #tpu.memory_space<semaphore_mem>> -> memref<1x!tpu.dma_semaphore, #tpu.memory_space<semaphore_mem>>
        %dma_wait3A_230 = tpu.memref_squeeze %dma_wait3A_229 : memref<1x!tpu.dma_semaphore, #tpu.memory_space<semaphore_mem>> -> memref<!tpu.dma_semaphore, #tpu.memory_space<semaphore_mem>>
        %dma_wait3A_231 = arith.constant 0 : i32
        %dma_wait3A_232 = tpu.memref_slice %arg3[%dma_wait3A_231] : memref<320000xi32, #tpu.memory_space<hbm>> -> memref<104xi32, #tpu.memory_space<hbm>>
        tpu.wait_dma2 semaphore(%dma_wait3A_230 : memref<!tpu.dma_semaphore, #tpu.memory_space<semaphore_mem>>) src(%dma_wait3A_232 : memref<104xi32, #tpu.memory_space<hbm>>) dst(%arg7 : memref<104xi32, #tpu.memory_space<vmem>>)
        %dma_wait3A_233 = arith.constant 1 : i32
        %dma_wait3A_234 = arith.constant 0 : i32
        %dma_wait3A_235 = tpu.memref_slice %arg4[%dma_wait3A_234] : memref<320000xi32, #tpu.memory_space<hbm>> -> memref<104xi32, #tpu.memory_space<hbm>>
        %dma_wait3A_236 = tpu.memref_slice %arg19[%dma_wait3A_233] : memref<3x!tpu.dma_semaphore, #tpu.memory_space<semaphore_mem>> -> memref<1x!tpu.dma_semaphore, #tpu.memory_space<semaphore_mem>>
        %dma_wait3A_237 = tpu.memref_squeeze %dma_wait3A_236 : memref<1x!tpu.dma_semaphore, #tpu.memory_space<semaphore_mem>> -> memref<!tpu.dma_semaphore, #tpu.memory_space<semaphore_mem>>
        %dma_wait3A_238 = arith.constant 0 : i32
        %dma_wait3A_239 = tpu.memref_slice %arg4[%dma_wait3A_238] : memref<320000xi32, #tpu.memory_space<hbm>> -> memref<104xi32, #tpu.memory_space<hbm>>
        tpu.wait_dma2 semaphore(%dma_wait3A_237 : memref<!tpu.dma_semaphore, #tpu.memory_space<semaphore_mem>>) src(%dma_wait3A_239 : memref<104xi32, #tpu.memory_space<hbm>>) dst(%arg10 : memref<104xi32, #tpu.memory_space<vmem>>)
        %ge3A = arith.constant 1 : i32
        %ge3A_240 = arith.cmpi sge, %add3A_198, %ge3A : i32
        %convert_element_type3A_241 = arith.extui %ge3A_240 : i1 to i32
        %cond3A_242 = arith.constant 0 : i32
        %cond3A_243 = arith.cmpi ne, %convert_element_type3A_241, %cond3A_242 : i32
        scf.if %cond3A_243 {
          %dma_wait3A_250 = arith.constant 1 : i32
          %dma_wait3A_251 = arith.constant 0 : i32
          %dma_wait3A_252 = arith.constant 0 : i32
          %dma_wait3A_253 = tpu.memref_slice %arg17[%dma_wait3A_251, %dma_wait3A_252] : memref<10000x128xf32, #tpu.memory_space<vmem_shared>> -> memref<10000x128xf32, #tpu.memory_space<vmem_shared>>
          %dma_wait3A_254 = tpu.memref_slice %arg21[%dma_wait3A_250] : memref<3x!tpu.dma_semaphore, #tpu.memory_space<semaphore_mem>> -> memref<1x!tpu.dma_semaphore, #tpu.memory_space<semaphore_mem>>
          %dma_wait3A_255 = tpu.memref_squeeze %dma_wait3A_254 : memref<1x!tpu.dma_semaphore, #tpu.memory_space<semaphore_mem>> -> memref<!tpu.dma_semaphore, #tpu.memory_space<semaphore_mem>>
          tpu.wait_indirect_dma semaphore(%dma_wait3A_255 : memref<!tpu.dma_semaphore, #tpu.memory_space<semaphore_mem>>) src(%arg13 : memref<104x128xf32, #tpu.memory_space<vmem>>) dst(%dma_wait3A_253 : memref<10000x128xf32, #tpu.memory_space<vmem_shared>>)
        } else {
        }
        %dma_start3A_244 = arith.constant 1 : i32
        %dma_start3A_245 = arith.constant 0 : i32
        %dma_start3A_246 = arith.constant 0 : i32
        %dma_start3A_247 = tpu.memref_slice %arg2[%dma_start3A_245, %dma_start3A_246] : memref<10000x128xf32, #tpu.memory_space<hbm>> -> memref<10000x128xf32, #tpu.memory_space<hbm>>
        %dma_start3A_248 = tpu.memref_slice %arg20[%dma_start3A_244] : memref<3x!tpu.dma_semaphore, #tpu.memory_space<semaphore_mem>> -> memref<1x!tpu.dma_semaphore, #tpu.memory_space<semaphore_mem>>
        %dma_start3A_249 = tpu.memref_squeeze %dma_start3A_248 : memref<1x!tpu.dma_semaphore, #tpu.memory_space<semaphore_mem>> -> memref<!tpu.dma_semaphore, #tpu.memory_space<semaphore_mem>>
        tpu.enqueue_indirect_dma source(%dma_start3A_247 : memref<10000x128xf32, #tpu.memory_space<hbm>>) target(%arg13 : memref<104x128xf32, #tpu.memory_space<vmem>>) offsets(%arg7 : memref<104xi32, #tpu.memory_space<vmem>>) semaphore(%dma_start3A_249 : memref<!tpu.dma_semaphore, #tpu.memory_space<semaphore_mem>>)
      } else {
      }
      %scan3A_225 = arith.constant 0 : i32
      scf.yield %scan3A_225 : i32
    }
    %scan3A_102 = arith.constant 32 : i32
    %dma_wait3A_103 = arith.constant 0 : i32
    %dma_wait3A_104 = arith.constant 0 : i32
    %dma_wait3A_105 = arith.constant 0 : i32
    %dma_wait3A_106 = tpu.memref_slice %arg17[%dma_wait3A_104, %dma_wait3A_105] : memref<10000x128xf32, #tpu.memory_space<vmem_shared>> -> memref<10000x128xf32, #tpu.memory_space<vmem_shared>>
    %dma_wait3A_107 = tpu.memref_slice %arg21[%dma_wait3A_103] : memref<3x!tpu.dma_semaphore, #tpu.memory_space<semaphore_mem>> -> memref<1x!tpu.dma_semaphore, #tpu.memory_space<semaphore_mem>>
    %dma_wait3A_108 = tpu.memref_squeeze %dma_wait3A_107 : memref<1x!tpu.dma_semaphore, #tpu.memory_space<semaphore_mem>> -> memref<!tpu.dma_semaphore, #tpu.memory_space<semaphore_mem>>
    tpu.wait_indirect_dma semaphore(%dma_wait3A_108 : memref<!tpu.dma_semaphore, #tpu.memory_space<semaphore_mem>>) src(%arg12 : memref<104x128xf32, #tpu.memory_space<vmem>>) dst(%dma_wait3A_106 : memref<10000x128xf32, #tpu.memory_space<vmem_shared>>)
    %dma_wait3A_109 = arith.constant 1 : i32
    %dma_wait3A_110 = arith.constant 0 : i32
    %dma_wait3A_111 = arith.constant 0 : i32
    %dma_wait3A_112 = tpu.memref_slice %arg17[%dma_wait3A_110, %dma_wait3A_111] : memref<10000x128xf32, #tpu.memory_space<vmem_shared>> -> memref<10000x128xf32, #tpu.memory_space<vmem_shared>>
    %dma_wait3A_113 = tpu.memref_slice %arg21[%dma_wait3A_109] : memref<3x!tpu.dma_semaphore, #tpu.memory_space<semaphore_mem>> -> memref<1x!tpu.dma_semaphore, #tpu.memory_space<semaphore_mem>>
    %dma_wait3A_114 = tpu.memref_squeeze %dma_wait3A_113 : memref<1x!tpu.dma_semaphore, #tpu.memory_space<semaphore_mem>> -> memref<!tpu.dma_semaphore, #tpu.memory_space<semaphore_mem>>
    tpu.wait_indirect_dma semaphore(%dma_wait3A_114 : memref<!tpu.dma_semaphore, #tpu.memory_space<semaphore_mem>>) src(%arg13 : memref<104x128xf32, #tpu.memory_space<vmem>>) dst(%dma_wait3A_112 : memref<10000x128xf32, #tpu.memory_space<vmem_shared>>)
    %dma_wait3A_115 = arith.constant 2 : i32
    %dma_wait3A_116 = arith.constant 0 : i32
    %dma_wait3A_117 = arith.constant 0 : i32
    %dma_wait3A_118 = tpu.memref_slice %arg17[%dma_wait3A_116, %dma_wait3A_117] : memref<10000x128xf32, #tpu.memory_space<vmem_shared>> -> memref<10000x128xf32, #tpu.memory_space<vmem_shared>>
    %dma_wait3A_119 = tpu.memref_slice %arg21[%dma_wait3A_115] : memref<3x!tpu.dma_semaphore, #tpu.memory_space<semaphore_mem>> -> memref<1x!tpu.dma_semaphore, #tpu.memory_space<semaphore_mem>>
    %dma_wait3A_120 = tpu.memref_squeeze %dma_wait3A_119 : memref<1x!tpu.dma_semaphore, #tpu.memory_space<semaphore_mem>> -> memref<!tpu.dma_semaphore, #tpu.memory_space<semaphore_mem>>
    tpu.wait_indirect_dma semaphore(%dma_wait3A_120 : memref<!tpu.dma_semaphore, #tpu.memory_space<semaphore_mem>>) src(%arg14 : memref<104x128xf32, #tpu.memory_space<vmem>>) dst(%dma_wait3A_118 : memref<10000x128xf32, #tpu.memory_space<vmem_shared>>)
    %lt3A = arith.constant 8 : i32
    %lt3A_121 = arith.cmpi slt, %add3A, %lt3A : i32
    %convert_element_type3A_122 = arith.extui %lt3A_121 : i1 to i32
    %cond3A_123 = arith.constant 0 : i32
    %cond3A_124 = arith.cmpi ne, %convert_element_type3A_122, %cond3A_123 : i32
    scf.if %cond3A_124 {
      %mul3A_135 = arith.constant 64 : i32
      %mul3A_136 = arith.muli %add3A, %mul3A_135 : i32
      %add3A_137 = arith.constant 319488 : i32
      %add3A_138 = arith.addi %add3A_137, %mul3A_136 : i32
      "tpu.region"() ({
        %run_scoped3A = tpu.sem_alloc : memref<!tpu.dma_semaphore, #tpu.memory_space<semaphore_mem>>
        %dma_start3A_139 = tpu.memref_slice %arg3[%add3A_138] : memref<320000xi32, #tpu.memory_space<hbm>> -> memref<64xi32, #tpu.memory_space<hbm>>
        %dma_start3A_140 = tpu.memref_slice %arg3[%add3A_138] : memref<320000xi32, #tpu.memory_space<hbm>> -> memref<64xi32, #tpu.memory_space<hbm>>
        tpu.enqueue_dma source(%dma_start3A_140 : memref<64xi32, #tpu.memory_space<hbm>>) target(%arg15 : memref<64xi32, #tpu.memory_space<vmem>>) target_semaphore(%run_scoped3A : memref<!tpu.dma_semaphore, #tpu.memory_space<semaphore_mem>>)
        %dma_wait3A_141 = tpu.memref_slice %arg3[%add3A_138] : memref<320000xi32, #tpu.memory_space<hbm>> -> memref<64xi32, #tpu.memory_space<hbm>>
        %dma_wait3A_142 = tpu.memref_slice %arg3[%add3A_138] : memref<320000xi32, #tpu.memory_space<hbm>> -> memref<64xi32, #tpu.memory_space<hbm>>
        tpu.wait_dma2 semaphore(%run_scoped3A : memref<!tpu.dma_semaphore, #tpu.memory_space<semaphore_mem>>) src(%dma_wait3A_142 : memref<64xi32, #tpu.memory_space<hbm>>) dst(%arg15 : memref<64xi32, #tpu.memory_space<vmem>>)
        tpu.yield
      }) : () -> ()
      "tpu.region"() ({
        %run_scoped3A = tpu.sem_alloc : memref<!tpu.dma_semaphore, #tpu.memory_space<semaphore_mem>>
        %dma_start3A_139 = tpu.memref_slice %arg4[%add3A_138] : memref<320000xi32, #tpu.memory_space<hbm>> -> memref<64xi32, #tpu.memory_space<hbm>>
        %dma_start3A_140 = tpu.memref_slice %arg4[%add3A_138] : memref<320000xi32, #tpu.memory_space<hbm>> -> memref<64xi32, #tpu.memory_space<hbm>>
        tpu.enqueue_dma source(%dma_start3A_140 : memref<64xi32, #tpu.memory_space<hbm>>) target(%arg16 : memref<64xi32, #tpu.memory_space<vmem>>) target_semaphore(%run_scoped3A : memref<!tpu.dma_semaphore, #tpu.memory_space<semaphore_mem>>)
        %dma_wait3A_141 = tpu.memref_slice %arg4[%add3A_138] : memref<320000xi32, #tpu.memory_space<hbm>> -> memref<64xi32, #tpu.memory_space<hbm>>
        %dma_wait3A_142 = tpu.memref_slice %arg4[%add3A_138] : memref<320000xi32, #tpu.memory_space<hbm>> -> memref<64xi32, #tpu.memory_space<hbm>>
        tpu.wait_dma2 semaphore(%run_scoped3A : memref<!tpu.dma_semaphore, #tpu.memory_space<semaphore_mem>>) src(%dma_wait3A_142 : memref<64xi32, #tpu.memory_space<hbm>>) dst(%arg16 : memref<64xi32, #tpu.memory_space<vmem>>)
        tpu.yield
      }) : () -> ()
      "tpu.region"() ({
        %run_scoped3A = tpu.sem_alloc : memref<!tpu.dma_semaphore, #tpu.memory_space<semaphore_mem>>
        %dma_start3A_139 = arith.constant 0 : i32
        %dma_start3A_140 = arith.constant 0 : i32
        %dma_start3A_141 = tpu.memref_slice %arg12[%dma_start3A_139, %dma_start3A_140] : memref<104x128xf32, #tpu.memory_space<vmem>> -> memref<64x128xf32, #tpu.memory_space<vmem>>
        %dma_start3A_142 = arith.constant 0 : i32
        %dma_start3A_143 = arith.constant 0 : i32
        %dma_start3A_144 = tpu.memref_slice %arg2[%dma_start3A_142, %dma_start3A_143] : memref<10000x128xf32, #tpu.memory_space<hbm>> -> memref<10000x128xf32, #tpu.memory_space<hbm>>
        tpu.enqueue_indirect_dma source(%dma_start3A_144 : memref<10000x128xf32, #tpu.memory_space<hbm>>) target(%dma_start3A_141 : memref<64x128xf32, #tpu.memory_space<vmem>>) offsets(%arg15 : memref<64xi32, #tpu.memory_space<vmem>>) semaphore(%run_scoped3A : memref<!tpu.dma_semaphore, #tpu.memory_space<semaphore_mem>>)
        %dma_wait3A_145 = arith.constant 0 : i32
        %dma_wait3A_146 = arith.constant 0 : i32
        %dma_wait3A_147 = tpu.memref_slice %arg12[%dma_wait3A_145, %dma_wait3A_146] : memref<104x128xf32, #tpu.memory_space<vmem>> -> memref<64x128xf32, #tpu.memory_space<vmem>>
        %dma_wait3A_148 = arith.constant 0 : i32
        %dma_wait3A_149 = arith.constant 0 : i32
        %dma_wait3A_150 = tpu.memref_slice %arg2[%dma_wait3A_148, %dma_wait3A_149] : memref<10000x128xf32, #tpu.memory_space<hbm>> -> memref<10000x128xf32, #tpu.memory_space<hbm>>
        tpu.wait_indirect_dma semaphore(%run_scoped3A : memref<!tpu.dma_semaphore, #tpu.memory_space<semaphore_mem>>) src(%dma_wait3A_150 : memref<10000x128xf32, #tpu.memory_space<hbm>>) dst(%dma_wait3A_147 : memref<64x128xf32, #tpu.memory_space<vmem>>)
        tpu.yield
      }) : () -> ()
      "tpu.region"() ({
        %run_scoped3A = tpu.sem_alloc : memref<!tpu.dma_semaphore, #tpu.memory_space<semaphore_mem>>
        %dma_start3A_139 = arith.constant 0 : i32
        %dma_start3A_140 = arith.constant 0 : i32
        %dma_start3A_141 = tpu.memref_slice %arg12[%dma_start3A_139, %dma_start3A_140] : memref<104x128xf32, #tpu.memory_space<vmem>> -> memref<64x128xf32, #tpu.memory_space<vmem>>
        %dma_start3A_142 = arith.constant 0 : i32
        %dma_start3A_143 = arith.constant 0 : i32
        %dma_start3A_144 = tpu.memref_slice %arg17[%dma_start3A_142, %dma_start3A_143] : memref<10000x128xf32, #tpu.memory_space<vmem_shared>> -> memref<10000x128xf32, #tpu.memory_space<vmem_shared>>
        tpu.enqueue_indirect_dma source(%dma_start3A_141 : memref<64x128xf32, #tpu.memory_space<vmem>>) target(%dma_start3A_144 : memref<10000x128xf32, #tpu.memory_space<vmem_shared>>) offsets(%arg16 : memref<64xi32, #tpu.memory_space<vmem>>) semaphore(%run_scoped3A : memref<!tpu.dma_semaphore, #tpu.memory_space<semaphore_mem>>) {add = true}
        %dma_wait3A_145 = arith.constant 0 : i32
        %dma_wait3A_146 = arith.constant 0 : i32
        %dma_wait3A_147 = tpu.memref_slice %arg12[%dma_wait3A_145, %dma_wait3A_146] : memref<104x128xf32, #tpu.memory_space<vmem>> -> memref<64x128xf32, #tpu.memory_space<vmem>>
        %dma_wait3A_148 = arith.constant 0 : i32
        %dma_wait3A_149 = arith.constant 0 : i32
        %dma_wait3A_150 = tpu.memref_slice %arg17[%dma_wait3A_148, %dma_wait3A_149] : memref<10000x128xf32, #tpu.memory_space<vmem_shared>> -> memref<10000x128xf32, #tpu.memory_space<vmem_shared>>
        tpu.wait_indirect_dma semaphore(%run_scoped3A : memref<!tpu.dma_semaphore, #tpu.memory_space<semaphore_mem>>) src(%dma_wait3A_147 : memref<64x128xf32, #tpu.memory_space<vmem>>) dst(%dma_wait3A_150 : memref<10000x128xf32, #tpu.memory_space<vmem_shared>>)
        tpu.yield
      }) : () -> ()
    } else {
    }
    %barrier3A_125 = arith.constant 0 : index
    tpu.barrier barrier_id(%barrier3A_125)
    %mul3A_126 = arith.constant 624 : i32
    %mul3A_127 = arith.muli %arg1, %mul3A_126 : i32
    %mul3A_128 = arith.constant 624 : i32
    %mul3A_129 = arith.muli %arg1, %mul3A_128 : i32
    "tpu.region"() ({
      %run_scoped3A = tpu.sem_alloc : memref<!tpu.dma_semaphore, #tpu.memory_space<semaphore_mem>>
      %dma_start3A_135 = arith.constant 0 : i32
      %dma_start3A_136 = tpu.memref_slice %arg5[%arg0, %mul3A_129, %dma_start3A_135] : memref<2x10000x128xf32, #tpu.memory_space<hbm>> -> memref<1x624x128xf32, #tpu.memory_space<hbm>>
      %dma_start3A_137 = tpu.memref_squeeze %dma_start3A_136 : memref<1x624x128xf32, #tpu.memory_space<hbm>> -> memref<624x128xf32, #tpu.memory_space<hbm>>
      %dma_start3A_138 = arith.constant 0 : i32
      %dma_start3A_139 = tpu.memref_slice %arg17[%mul3A_127, %dma_start3A_138] : memref<10000x128xf32, #tpu.memory_space<vmem_shared>> -> memref<624x128xf32, #tpu.memory_space<vmem_shared>>
      tpu.enqueue_dma source(%dma_start3A_139 : memref<624x128xf32, #tpu.memory_space<vmem_shared>>) target(%dma_start3A_137 : memref<624x128xf32, #tpu.memory_space<hbm>>) target_semaphore(%run_scoped3A : memref<!tpu.dma_semaphore, #tpu.memory_space<semaphore_mem>>)
      %dma_wait3A_140 = arith.constant 0 : i32
      %dma_wait3A_141 = tpu.memref_slice %arg5[%arg0, %mul3A_129, %dma_wait3A_140] : memref<2x10000x128xf32, #tpu.memory_space<hbm>> -> memref<1x624x128xf32, #tpu.memory_space<hbm>>
      %dma_wait3A_142 = tpu.memref_squeeze %dma_wait3A_141 : memref<1x624x128xf32, #tpu.memory_space<hbm>> -> memref<624x128xf32, #tpu.memory_space<hbm>>
      %dma_wait3A_143 = arith.constant 0 : i32
      %dma_wait3A_144 = tpu.memref_slice %arg17[%mul3A_127, %dma_wait3A_143] : memref<10000x128xf32, #tpu.memory_space<vmem_shared>> -> memref<624x128xf32, #tpu.memory_space<vmem_shared>>
      tpu.wait_dma2 semaphore(%run_scoped3A : memref<!tpu.dma_semaphore, #tpu.memory_space<semaphore_mem>>) src(%dma_wait3A_144 : memref<624x128xf32, #tpu.memory_space<vmem_shared>>) dst(%dma_wait3A_142 : memref<624x128xf32, #tpu.memory_space<hbm>>)
      tpu.yield
    }) : () -> ()
    %eq3A_130 = arith.constant 15 : i32
    %eq3A_131 = arith.cmpi eq, %arg1, %eq3A_130 : i32
    %convert_element_type3A_132 = arith.extui %eq3A_131 : i1 to i32
    %cond3A_133 = arith.constant 0 : i32
    %cond3A_134 = arith.cmpi ne, %convert_element_type3A_132, %cond3A_133 : i32
    scf.if %cond3A_134 {
      "tpu.region"() ({
        %run_scoped3A = tpu.sem_alloc : memref<!tpu.dma_semaphore, #tpu.memory_space<semaphore_mem>>
        %dma_start3A_135 = arith.constant 9984 : i32
        %dma_start3A_136 = arith.constant 0 : i32
        %dma_start3A_137 = tpu.memref_slice %arg5[%arg0, %dma_start3A_135, %dma_start3A_136] : memref<2x10000x128xf32, #tpu.memory_space<hbm>> -> memref<1x16x128xf32, #tpu.memory_space<hbm>>
        %dma_start3A_138 = tpu.memref_squeeze %dma_start3A_137 : memref<1x16x128xf32, #tpu.memory_space<hbm>> -> memref<16x128xf32, #tpu.memory_space<hbm>>
        %dma_start3A_139 = arith.constant 9984 : i32
        %dma_start3A_140 = arith.constant 0 : i32
        %dma_start3A_141 = tpu.memref_slice %arg17[%dma_start3A_139, %dma_start3A_140] : memref<10000x128xf32, #tpu.memory_space<vmem_shared>> -> memref<16x128xf32, #tpu.memory_space<vmem_shared>>
        tpu.enqueue_dma source(%dma_start3A_141 : memref<16x128xf32, #tpu.memory_space<vmem_shared>>) target(%dma_start3A_138 : memref<16x128xf32, #tpu.memory_space<hbm>>) target_semaphore(%run_scoped3A : memref<!tpu.dma_semaphore, #tpu.memory_space<semaphore_mem>>)
        %dma_wait3A_142 = arith.constant 9984 : i32
        %dma_wait3A_143 = arith.constant 0 : i32
        %dma_wait3A_144 = tpu.memref_slice %arg5[%arg0, %dma_wait3A_142, %dma_wait3A_143] : memref<2x10000x128xf32, #tpu.memory_space<hbm>> -> memref<1x16x128xf32, #tpu.memory_space<hbm>>
        %dma_wait3A_145 = tpu.memref_squeeze %dma_wait3A_144 : memref<1x16x128xf32, #tpu.memory_space<hbm>> -> memref<16x128xf32, #tpu.memory_space<hbm>>
        %dma_wait3A_146 = arith.constant 9984 : i32
        %dma_wait3A_147 = arith.constant 0 : i32
        %dma_wait3A_148 = tpu.memref_slice %arg17[%dma_wait3A_146, %dma_wait3A_147] : memref<10000x128xf32, #tpu.memory_space<vmem_shared>> -> memref<16x128xf32, #tpu.memory_space<vmem_shared>>
        tpu.wait_dma2 semaphore(%run_scoped3A : memref<!tpu.dma_semaphore, #tpu.memory_space<semaphore_mem>>) src(%dma_wait3A_148 : memref<16x128xf32, #tpu.memory_space<vmem_shared>>) dst(%dma_wait3A_145 : memref<16x128xf32, #tpu.memory_space<hbm>>)
        tpu.yield
      }) : () -> ()
    } else {
    }
    return
  }
}

module attributes {stable_mosaic.version = 14 : i64} {
  func.func @_tc_body(%arg0: i32, %arg1: memref<1xf32, #tpu.memory_space<smem>>, %arg2: memref<1000x128xf32, #tpu.memory_space<vmem>>, %arg3: memref<1x1000x128xf32, #tpu.memory_space<vmem>>, %arg4: memref<1x1000x128xf32, #tpu.memory_space<vmem>>, %arg5: memref<128x128xf32, #tpu.memory_space<vmem>>, %arg6: memref<1x128xf32, #tpu.memory_space<vmem>>, %arg7: memref<1000x128xf32, #tpu.memory_space<vmem>>) attributes {dimension_semantics = [#tpu.dimension_semantics<arbitrary>], iteration_bounds = array<i64: 10>, scalar_prefetch = 0 : i64, scratch_operands = 0 : i64, tpu.core_type = #tpu.core_type<tc>, window_params = [{transform_indices = @transform_0, window_bounds = array<i64: 1>}, {transform_indices = @transform_1, window_bounds = array<i64: 1000, 128>}, {transform_indices = @transform_2, window_bounds = array<i64: 1, 1000, 128>}, {transform_indices = @transform_3, window_bounds = array<i64: 1, 1000, 128>}, {pipeline_mode = #tpu.pipeline_mode<synchronous>, transform_indices = @transform_4, window_bounds = array<i64: 128, 128>}, {pipeline_mode = #tpu.pipeline_mode<synchronous>, transform_indices = @transform_5, window_bounds = array<i64: 1, 128>}, {transform_indices = @transform_6, window_bounds = array<i64: 1000, 128>}]} {
    %get3A = arith.constant 0 : index
    %get3A_0 = arith.constant 0 : index
    %get3A_1 = vector.load %arg2[%get3A, %get3A_0] : memref<1000x128xf32, #tpu.memory_space<vmem>>, vector<1000x128xf32>
    %get3A_2 = arith.constant 0 : index
    %get3A_3 = memref.load %arg1[%get3A_2] : memref<1xf32, #tpu.memory_space<smem>>
    %add3A = arith.constant 1.000000e+00 : f32
    %add3A_4 = arith.addf %add3A, %get3A_3 : f32
    %mul3A = vector.broadcast %add3A_4 : f32 to vector<1000x128xf32>
    %mul3A_5 = arith.mulf %get3A_1, %mul3A : vector<1000x128xf32>
    %get3A_6 = arith.constant 0 : index
    %get3A_7 = arith.constant 0 : index
    %get3A_8 = arith.constant 0 : index
    %get3A_9 = vector.load %arg3[%get3A_6, %get3A_7, %get3A_8] : memref<1x1000x128xf32, #tpu.memory_space<vmem>>, vector<1x1000x128xf32>
    %get3A_10 = vector.shape_cast %get3A_9 : vector<1x1000x128xf32> to vector<1000x128xf32>
    %get3A_11 = arith.constant 0 : index
    %get3A_12 = arith.constant 0 : index
    %get3A_13 = arith.constant 0 : index
    %get3A_14 = vector.load %arg4[%get3A_11, %get3A_12, %get3A_13] : memref<1x1000x128xf32, #tpu.memory_space<vmem>>, vector<1x1000x128xf32>
    %get3A_15 = vector.shape_cast %get3A_14 : vector<1x1000x128xf32> to vector<1000x128xf32>
    %add3A_16 = arith.addf %get3A_10, %get3A_15 : vector<1000x128xf32>
    %add3A_17 = arith.addf %mul3A_5, %add3A_16 : vector<1000x128xf32>
    %mul3A_18 = arith.constant 0.0303030312 : f32
    %mul3A_19 = vector.broadcast %mul3A_18 : f32 to vector<1000x128xf32>
    %mul3A_20 = arith.mulf %add3A_17, %mul3A_19 : vector<1000x128xf32>
    %get3A_21 = arith.constant 0 : index
    %get3A_22 = arith.constant 0 : index
    %get3A_23 = vector.load %arg5[%get3A_21, %get3A_22] : memref<128x128xf32, #tpu.memory_space<vmem>>, vector<128x128xf32>
    %dot_general3A = arith.constant dense<0.000000e+00> : vector<1000x128xf32>
    %dot_general3A_24 = tpu.matmul %mul3A_20, %get3A_23, %dot_general3A {dimension_numbers = #tpu.dot_dimension_numbers<[1], [0], [0], [1], [0, 0, 1, 1], [], []>, transpose_lhs_hint = false} : vector<1000x128xf32>, vector<128x128xf32>, vector<1000x128xf32> -> vector<1000x128xf32>
    %get3A_25 = arith.constant 0 : index
    %get3A_26 = arith.constant 0 : index
    %get3A_27 = vector.load %arg6[%get3A_25, %get3A_26] : memref<1x128xf32, #tpu.memory_space<vmem>>, vector<1x128xf32>
    %add3A_28 = vector.broadcast %get3A_27 : vector<1x128xf32> to vector<1000x128xf32>
    %add3A_29 = arith.addf %dot_general3A_24, %add3A_28 : vector<1000x128xf32>
    %max3A = arith.constant 0.000000e+00 : f32
    %max3A_30 = vector.broadcast %max3A : f32 to vector<1000x128xf32>
    %max3A_31 = arith.maximumf %add3A_29, %max3A_30 : vector<1000x128xf32>
    %swap3A = arith.constant 0 : index
    %swap3A_32 = arith.constant 0 : index
    %swap3A_33 = vector.load %arg7[%swap3A, %swap3A_32] : memref<1000x128xf32, #tpu.memory_space<vmem>>, vector<1000x128xf32>
    tpu.vector_store %arg7[%swap3A, %swap3A_32], %max3A_31 {strides = array<i32>} : memref<1000x128xf32, #tpu.memory_space<vmem>>, vector<1000x128xf32>,
    return
  }
  func.func @transform_0(%arg0: i32) -> i32 {
    %c0_i32 = arith.constant 0 : i32
    %c0_i32_0 = arith.constant 0 : i32
    return %c0_i32 : i32
  }
  func.func @transform_1(%arg0: i32) -> (i32, i32) {
    %c0_i32 = arith.constant 0 : i32
    %c0_i32_0 = arith.constant 0 : i32
    return %arg0, %c0_i32 : i32, i32
  }
  func.func @transform_2(%arg0: i32) -> (i32, i32, i32) {
    %c0_i32 = arith.constant 0 : i32
    %c0_i32_0 = arith.constant 0 : i32
    %c0_i32_1 = arith.constant 0 : i32
    return %c0_i32, %arg0, %c0_i32_0 : i32, i32, i32
  }
  func.func @transform_3(%arg0: i32) -> (i32, i32, i32) {
    %c1_i32 = arith.constant 1 : i32
    %c0_i32 = arith.constant 0 : i32
    %c0_i32_0 = arith.constant 0 : i32
    return %c1_i32, %arg0, %c0_i32 : i32, i32, i32
  }
  func.func @transform_4(%arg0: i32) -> (i32, i32) {
    %c0_i32 = arith.constant 0 : i32
    %c0_i32_0 = arith.constant 0 : i32
    %c0_i32_1 = arith.constant 0 : i32
    return %c0_i32, %c0_i32_0 : i32, i32
  }
  func.func @transform_5(%arg0: i32) -> (i32, i32) {
    %c0_i32 = arith.constant 0 : i32
    %c0_i32_0 = arith.constant 0 : i32
    %c0_i32_1 = arith.constant 0 : i32
    return %c0_i32, %c0_i32_0 : i32, i32
  }
  func.func @transform_6(%arg0: i32) -> (i32, i32) {
    %c0_i32 = arith.constant 0 : i32
    %c0_i32_0 = arith.constant 0 : i32
    return %arg0, %c0_i32 : i32, i32
  }
}

</mosaic_0001>

<sc_bundles>
// kernel: kernel.4.cloned.1.call-start
scs
__scs_entry_jumppad:
0x0: {  	(pc) =	sbr.rel $0x88, $3  }
0x1: {  	(tag) =	ssettag $0x0;
	lr =	simm.s32 $0x1  }
0x2: {  	[smem:$0x3F9C] =	sst lr;
	_ =	strace $0xD0000000  }
0x3: {  	_ = 	snop  }
0x4: {  	_ = 	snop  }
0x5: {  	_ = 	snop  }
0x6: {  	_ = 	snop  }
0x7: {  	_ = 	snop  }
__scs_overlays_trampoline_lowered:
0x8: {  	[smem:$0x3FAB] =	sst s0  }
0x9: {  	[smem:$0x3FAC] =	sst s1  }
0xa: {  	[smem:$0x3FAD] =	sst s2  }
0xb: {  	[smem:$0x3FAE] =	sst s3  }
0xc: {  	[smem:$0x3FAF] =	sst s4  }
0xd: {  	[smem:$0x3FB0] =	sst s5  }
0xe: {  	[smem:$0x3FB1] =	sst s6  }
0xf: {  	[smem:$0x3FB2] =	sst s7  }
0x10: {  	[smem:$0x3FB3] =	sst s8  }
0x11: {  	[smem:$0x3FB4] =	sst s9;
	s0 =	simm.s32 @!p0 $0x0  }
0x12: {  	s1 =	sld [smem:$0x3F9A];
	s0 =	simm.s32 @p0 $0x1  }
0x13: {  	[smem:$0x3FB5] =	sst s0;
	s0 =	simm.s32 @!p1 $0x0  }
0x14: {  	s2 =	sld [smem:$0x3F99];
	s0 =	simm.s32 @p1 $0x1  }
0x15: {  	[smem:$0x3FB6] =	sst s0;
	s0 =	simm.s32 @!p2 $0x0  }
0x16: {  	s3 =	sld [smem:$0x3FDB];
	s0 =	simm.s32 @p2 $0x1  }
0x17: {  	s4 =	simm.s32 $0x1BF5;
	[smem:$0x3FB8] =	sst s0  }
0x18: {  	s0 =	sld [smem:$0x3F9B];
	_ =	swait.ge [sflag:s4], $0x0  }
0x19: {  	s7 =	sld [smem:$0x3F9C]  }
0x1a: {  	s8 =	sadd.s32 $0xFFFFE003, lr  }
0x1b: {  	s9 =	sadd.s32 $0xFFFFFEF7, lr;
	s5 =	simm.s32 $0xFFFFFFFF;
	p2 =	slt.u32 s8, $0xFFFFF086  }
0x1c: {  	p1 =	slt.u32 s9, $0xF7A;
	s5 =	simm.s32 @!p2 $0x0  }
0x1d: {  	s5 =	simm.s32 @p1 $0x1;
	p0 =	seq.s32 s7, s2  }
0x1e: {  	s7 =	smul.u32 @!p0 $0xF7A, s2;
	p2 =	seq.s32 @!p0 s5, $0x0  }
0x1f: {  	s9 =	smul.u32 $0xF7A, s1;
	s8 =	simm.s32 @!p0 $0x1BF5;
	p2 =	por !p2, p0  }
0x20: {  	[sflag:s8] =	ssyncset.s32 @!p0 $0xFFFFF086;
	s6 =	sadd.s32 @!p0 s3, s7;
	s7 =	simm.s32 @!p0 $0x108  }
0x21: {  	s3 =	sadd.s32 s3, s9;
	s6 =	sadd.s32 @!p0 $0x88, s6;
	s7 =	simm.s32 @p2 $0x1082  }
0x22: {  	[simem:s7], [sflag:s8] =	dma.local @!p0 [hbm:s6], $0xF7A  }
0x23: {  	s9 =	sor.u32 $0xD0000000, s2;
	s6 =	simm.s32 $0x108;
	_ =	swait.ge @!p0 [sflag:s8], $0x0  }
0x24: {  	s3 =	sadd.s32 $0x88, s3;
	s6 =	simm.s32 @!p1 $0x1082;
	[sflag:s4] =	ssyncset.s32 $0xFFFFF086  }
0x25: {  	[simem:s6], [sflag:s4] =	dma.local [hbm:s3], $0xF7A  }
0x26: {  	[smem:$0x3F9C] =	sst s1;
	(tag) =	ssettag s2;
	_ =	strace s9  }
0x27: {  	s1 =	sld [smem:$0x3FAC]  }
0x28: {  	s2 =	sld [smem:$0x3FAD]  }
0x29: {  	s4 =	sld [smem:$0x3FAF]  }
0x2a: {  	p0 =	seq.s32 s5, $0x0;
	s5 =	sld [smem:$0x3FB0]  }
0x2b: {  	s6 =	sld [smem:$0x3FB1]  }
0x2c: {  	s7 =	sld [smem:$0x3FB2]  }
0x2d: {  	s3 =	simm.s32 $0x108;
	s8 =	sld [smem:$0x3FB3]  }
0x2e: {  	s3 =	simm.s32 @!p0 $0x1082;
	s9 =	sld [smem:$0x3FB4]  }
0x2f: {  	lr =	sadd.s32 s0, s3;
	s0 =	sld [smem:$0x3FAB]  }
0x30: {  	s3 =	sld [smem:$0x3FAE]  }
0x31: {  	[smem:$0x3FB7] =	sst s10  }
0x32: {  	s10 =	sld [smem:$0x3FB5];
	_ =	sdelay $0x3  }
0x33: {  	p0 =	seq.s32 s10, $0x1;
	s10 =	sld [smem:$0x3FB7];
	_ =	sdelay $0x3  }
0x34: {  	[smem:$0x3FB7] =	sst s10  }
0x35: {  	s10 =	sld [smem:$0x3FB6];
	_ =	sdelay $0x3  }
0x36: {  	p1 =	seq.s32 s10, $0x1;
	s10 =	sld [smem:$0x3FB7];
	_ =	sdelay $0x3  }
0x37: {  	[smem:$0x3FB7] =	sst s10  }
0x38: {  	s10 =	sld [smem:$0x3FB8]  }
0x39: {  	_ = 	snop;
	(pc) =	sbr.ind lr, $3  }
0x3a: {  	_ = 	snop  }
0x3b: {  	_ = 	snop  }
0x3c: {  	p2 =	seq.s32 s10, $0x1;
	s10 =	sld [smem:$0x3FB7]  }
0x3d: {  	_ =	shalt  }
0x3e: {  	_ =	shalt  }
0x3f: {  	_ =	shalt  }
0x40: {  	_ =	shalt  }
0x41: {  	_ =	shalt  }
0x42: {  	_ =	shalt  }
0x43: {  	_ =	shalt  }
0x44: {  	_ =	shalt  }
0x45: {  	_ =	shalt  }
0x46: {  	_ =	shalt  }
0x47: {  	_ =	shalt  }
0x48: {  	_ =	shalt  }
0x49: {  	_ =	shalt  }
0x4a: {  	_ =	shalt  }
0x4b: {  	_ =	shalt  }
0x4c: {  	_ =	shalt  }
0x4d: {  	_ =	shalt  }
0x4e: {  	_ =	shalt  }
0x4f: {  	_ =	shalt  }
0x50: {  	_ =	shalt  }
0x51: {  	_ =	shalt  }
0x52: {  	_ =	shalt  }
0x53: {  	_ =	shalt  }
0x54: {  	_ =	shalt  }
0x55: {  	_ =	shalt  }
0x56: {  	_ =	shalt  }
0x57: {  	_ =	shalt  }
0x58: {  	_ =	shalt  }
0x59: {  	_ =	shalt  }
0x5a: {  	_ =	shalt  }
0x5b: {  	_ =	shalt  }
0x5c: {  	_ =	shalt  }
0x5d: {  	_ =	shalt  }
0x5e: {  	_ =	shalt  }
0x5f: {  	_ =	shalt  }
0x60: {  	_ =	shalt  }
0x61: {  	_ =	shalt  }
0x62: {  	_ =	shalt  }
0x63: {  	_ =	shalt  }
0x64: {  	_ =	shalt  }
0x65: {  	_ =	shalt  }
0x66: {  	_ =	shalt  }
0x67: {  	_ =	shalt  }
0x68: {  	_ =	shalt  }
0x69: {  	_ =	shalt  }
0x6a: {  	_ =	shalt  }
0x6b: {  	_ =	shalt  }
0x6c: {  	_ =	shalt  }
0x6d: {  	_ =	shalt  }
0x6e: {  	_ =	shalt  }
0x6f: {  	_ =	shalt  }
0x70: {  	_ =	shalt  }
0x71: {  	_ =	shalt  }
0x72: {  	_ =	shalt  }
0x73: {  	_ =	shalt  }
0x74: {  	_ =	shalt  }
0x75: {  	_ =	shalt  }
0x76: {  	_ =	shalt  }
0x77: {  	_ =	shalt  }
0x78: {  	_ =	shalt  }
0x79: {  	_ =	shalt  }
0x7a: {  	_ =	shalt  }
0x7b: {  	_ =	shalt  }
0x7c: {  	_ =	shalt  }
0x7d: {  	_ =	shalt  }
0x7e: {  	_ =	shalt  }
0x7f: {  	_ =	shalt  }
0x80: {  	_ =	shalt  }
0x81: {  	_ =	shalt  }
0x82: {  	_ =	shalt  }
0x83: {  	_ =	shalt  }
0x84: {  	_ =	shalt  }
0x85: {  	_ =	shalt  }
0x86: {  	_ =	shalt  }
0x87: {  	_ =	shalt  }
.Lfunc_end0:
.L_simem_size_0:
called_computation_lowered:
.L_overlay_start_0:
0x88: {  	s2 =	sld [smem:$0x3FD9]  }
0x89: {  	s3 =	sld [smem:$0x3FFE];
	_ =	sdelay $0x1  }
0x8a: {  	s1 =	srdreg.scid  }
0x8b: {  	s0 =	sand.u32 $0x1, s1  }
0x8c: {  	s17 =	sshll.u32 s0, $0xA;
	s2 =	sadd.s32 s3, s2  }
0x8d: {  	s2 =	sadd.s32 s2, s17  }
0x8e: {  	[smem:$0x3FC3] =	sst s2  }
0x8f: {  	_ = 	snop  }
0x90: {  	s2 =	sld [smem:$0x3FC9]  }
0x91: {  	s18 =	sld [smem:$0x3FD0];
	(tm) =	ssettm $0x1  }
0x92: {  	s4 =	sld [smem:$0x3FFB];
	_ =	sdelay $0x3  }
0x93: {  	_ =	strace s4  }
0x94: {  	s4 =	sld [smem:$0x3FFC];
	_ =	sdelay $0x3  }
0x95: {  	_ =	strace s4  }
0x96: {  	s4 =	sld [smem:$0x3FFD];
	_ =	sdelay $0x3  }
0x97: {  	_ =	strace s4  }
0x98: {  	_ =	strace $0x8FFFFFFF  }
0x99: {  	s19 =	sld [smem:$0x3FDB];
	_ =	sdelay $0x1  }
0x9a: {  	s5 =	simm.s32 $_scs_section_size  }
0x9b: {  	s6 =	simm.s32 $_size__tile_overlayer_lowered;
	s7 =	simm.s32 $_tile_overlayer_lowered  }
0x9c: {  	s22 =	simm.s32 $0x1BFF;
	s21 =	sshll.u32 s7, $0x1;
	s4 =	sadd.s32 s5, s19  }
0x9d: {  	s8 =	simm.s32 $0x0;
	s20 =	sshll.u32 s6, $0x1;
	s6 =	sadd.s32 s21, s4  }
0x9e: {  	[timem:s8], [sflag:s22] =	dma.local [hbm:s6], s20  }
0x9f: {  	_ =	swait.ge [sflag:s22], s20  }
0xa0: {  	s5 =	ssub.s32 $0x0, s20;
	[sflag:s22] =	ssyncset.done $0x0  }
0xa1: {  	[sflag:s22] =	ssyncadd.s32 s5;
	_ =	sdelay $0x1  }
0xa2: {  	s23 =	simm.s32 $0x1B8B  }
0xa3: {  	_ =	swait.ge [sflag:s23], $0x1  }
0xa4: {  	[sflag:s23] =	ssyncset.done $0x0  }
0xa5: {  	s25 =	simm.s32 $0x1B8E;
	s24 =	sld [smem:$0x3FFE];
	[sflag:s23] =	ssyncadd.s32 $0xFFFFFFFF  }
0xa6: {  	s26 =	simm.s32 $execute0_lowered;
	[smem:$0x3FD2] =	sst s25  }
0xa7: {  	s6 =	sshll.u32 s26, $0x1;
	_ =	strace $0x80000046;
	[dreg:$0x1] =	wrdreg $0xFFFFFFFF  }
0xa8: {  	s28 =	simm.s32 $_size_execute0_lowered;
	s4 =	sadd.s32 s4, s6;
	[dreg:$0x0] =	wrdreg $0x0  }
0xa9: {  	s6 =	sshll.u32 s28, $0x1;
	[dreg:$0x2] =	wrdreg s4  }
0xaa: {  	[dreg:$0x3] =	wrdreg s6  }
0xab: {  	[dreg:$0x4] =	wrdreg $0xC0  }
0xac: {  	_ =	task [dreg:s8], $0x5FFFF  }
0xad: {  	[dreg:$0x1] =	wrdreg $0xFFFFFFFF  }
0xae: {  	[dreg:$0x0] =	wrdreg $0x60  }
0xaf: {  	[dreg:$0x2] =	wrdreg s2  }
0xb0: {  	[dreg:$0x3] =	wrdreg s24  }
0xb1: {  	[dreg:$0x4] =	wrdreg s18  }
0xb2: {  	[dreg:$0x5] =	wrdreg $0xA0000  }
0xb3: {  	[dreg:$0x6] =	wrdreg $0x9  }
0xb4: {  	_ =	task.clear_ibuf [dreg:s8], $0x7FFFF;
	_ =	strace $0x90000046  }
0xb5: {  	s29 =	simm.s32 $0x9;
	_ =	strace $0x80000048  }
0xb6: {  	_ =	swait.ge [sflag:s29], $0x1  }
0xb7: {  	[sflag:s29] =	ssyncadd.s32 $0xFFFFFFFF  }
0xb8: {  	_ =	strace $0x90000048  }
0xb9: {  	_ =	sfence  }
0xba: {  	s30 =	sld [smem:$0x0];
	_ =	sdelay $0x2  }
0xbb: {  	s31 =	sshll.u32 s1, $0xD;
	s1 =	sshrl.u32 s1, $0x2  }
0xbc: {  	s3 =	sand.u32 $0x4000, s31;
	s1 =	sadd.s32 s1, s30  }
0xbd: {  	s0 =	sor.u32 s3, s0;
	s1 =	sshll.u32 s1, $0x11  }
0xbe: {  	s0 =	sor.u32 s1, s0  }
0xbf: {  	s0 =	sadd.s32 $0x8F2B, s0  }
0xc0: {  	[sflag:s0] =	ssyncadd.remote.s32 $0x1  }
0xc1: {  	_ =	sfence.sel $0xFFFF  }
0xc2: {  	[dreg:$0x0] =	wrdreg $0xFFFFFFFF;
	(pc) =	sbr.abs _section_cstart, $3  }
0xc3: {  	[dreg:$0x1] =	wrdreg $0xFFFFFFFF  }
0xc4: {  	_ =	task.clear_ibuf [dreg:s8], $0x2FFFF;
	_ =	strace $0x9FFFFFFF  }
0xc5: {  	(tm) =	ssettm $0x7FFFFFFF  }
tec
execute0_lowered:
.L_overlay_start_1:
0x0: {  	(tag) =	ssettag $0x1  }
0x1: {  	s0 =	rddreg [dreg:$0x0]  }
0x2: {  	s1 =	rddreg [dreg:$0x1]  }
0x3: {  	s2 =	srdreg.scid;
	s12 =	rddreg [dreg:$0x2]  }
0x4: {  	s4 =	rddreg [dreg:$0x3];
	s6 =	stileid.u32;
	s5 =	simm.s32 $0x0  }
0x5: {  	s28 =	simm.s32 $0x8;
	s29 =	simm.s32 $0x9;
	s30 =	simm.s32 $0xA  }
0x6: {  	s2 =	sand.u32 $0x1, s2;
	[smem:$0x7FF] =	sst s5;
	s24 =	smul.u32 $0x13800, s6  }
0x7: {  	s13 =	sadd.s32 $0xA00, s1;
	s1 =	sadd.s32 $0xA800, s1;
	s25 =	smul.u32 $0x4E000, s6  }
0x8: {  	s23 =	sshll.u32 s6, $0x3;
	s11 =	sadd.s32 $0x138000, s4;
	s31 =	smul.u32 $0x2700, s6  }
0x9: {  	p1 =	seq.s32 s6, $0xF;
	p2 =	sne.s32 s6, $0xF;
	s3 =	sshll.u32 s2, $0x4  }
0xa: {  	_ =	strace $0x80000047;
	s8 =	ssub.s32 $0x2, s2;
	s22 =	smul.u32 $0x138800, s2  }
0xb: {  	[dreg:$0xb] =	wrdreg s11;
	s2 =	smul.u32 $0x27000, s2;
	s3 =	sor.u32 s6, s3  }
0xc: {  	s9 =	sshrl.u32 s8, $0x1;
	s11 =	sshrl.u32 s25, $0x2;
	s7 =	smul.u32 $0x2700, s3  }
0xd: {  	s8 =	ssub.s32 s8, s9;
	s11 =	sadd.s32 s11, s4;
	s2 =	sadd.s32 s31, s2  }
0xe: {  	p0 =	sgt.u32 s3, $0x7;
	s25 =	sadd.s32 $0x9C00, s11;
	[dreg:$0xf] =	wrdreg s11  }
0xf: {  	s15 =	sadd.s32 $0x208, s2;
	s31 =	sadd.s32 $0x10400, s11;
	[dreg:$0x16] =	wrdreg s25  }
0x10: {  	s16 =	sadd.s32 $0x1A0, s2;
	s7 =	sshrl.u32 s7, $0x3;
	[dreg:$0x18] =	wrdreg s31  }
0x11: {  	s25 =	simm.s32 $0x6;
	s18 =	sadd.s32 s13, s7;
	s19 =	sor.u32 $0xD, s7  }
0x12: {  	s10 =	sadd.s32 s12, s7;
	s7 =	sor.u32 $0x1A, s7;
	[dreg:$0x5] =	wrdreg s18  }
0x13: {  	[dreg:$0x6] =	wrdreg s10;
	s20 =	sadd.s32 s13, s19;
	s9 =	sadd.s32 s12, s19  }
0x14: {  	s21 =	sadd.s32 s13, s7;
	s7 =	sadd.s32 s12, s7;
	[dreg:$0x7] =	wrdreg s20  }
0x15: {  	s10 =	sadd.s32 s24, s22;
	s18 =	sshrl.u32 s16, $0x3;
	[dreg:$0x8] =	wrdreg s9  }
0x16: {  	s19 =	sadd.s32 $0x138, s2;
	s2 =	simm.s32 $0x200;
	[dreg:$0x9] =	wrdreg s21  }
0x17: {  	s16 =	simm.s32 $0x1;
	[dreg:$0xa] =	wrdreg s7;
	s7 =	sor.u32 $0x9C00, s23  }
0x18: {  	s26 =	sshrl.u32 s10, $0x3;
	s9 =	sshrl.u32 s22, $0x3;
	s23 =	sadd.s32 s18, s12  }
0x19: {  	s21 =	smov.u32 s13;
	s24 =	sadd.s32 s18, s13;
	[dreg:$0x14] =	wrdreg s19  }
0x1a: {  	s20 =	sadd.s32 $0x6800, s11;
	s10 =	simm.s32 $0x5;
	s18 =	simm.s32 $0x4  }
0x1b: {  	s19 =	simm.s32 $0x7;
	s14 =	sadd.s32 s13, s7;
	[dreg:$0x15] =	wrdreg s20  }
0x1c: {  	s7 =	sadd.s32 s12, s7;
	s20 =	simm.s32 $0x3;
	[dreg:$0xc] =	wrdreg s14  }
0x1d: {  	[dreg:$0xd] =	wrdreg s7;
	s7 =	sadd.s32 s1, s26;
	s1 =	sadd.s32 s1, s9  }
0x1e: {  	s14 =	smax.u32 s8, $0x1;
	s26 =	sadd.s32 $0xD000, s11;
	[dreg:$0xe] =	wrdreg s7  }
0x1f: {  	s8 =	simm.s32 $0x280;
	s9 =	simm.s32 $0x2;
	[dreg:$0x11] =	wrdreg s14  }
0x20: {  	s1 =	sadd.s32 $0x27000, s1;
	s7 =	sadd.s32 $0x3400, s11;
	[dreg:$0x17] =	wrdreg s26  }
.Ltmp0:
0x21: {  	s11 =	simm.s32 $0x68;
	[dreg:$0x10] =	wrdreg s1;
	(pc) =	sbr.rel .LBB2_1-.Ltmp0, $4  }
0x22: {  	s14 =	simm.s32 $0x300;
	s26 =	simm.s32 $0x6B00;
	[dreg:$0x12] =	wrdreg s7  }
0x23: {  	s1 =	sshrl.u32 s15, $0x3;
	s7 =	simm.s32 $0x100;
	s15 =	simm.s32 $0x0  }
0x24: {  	s17 =	sadd.s32 s1, s12;
	s22 =	sadd.s32 s1, s13;
	s1 =	simm.s32 $0x80  }
0x25: {  	v0 =	vimm.f32 $0.0e+00;
	s12 =	simm.s32 $0x3700;
	s13 =	simm.s32 $0xB;
	[dreg:$0x13] =	wrdreg s17  }
.LBB2_6:
0x26: {  	_ =	swait.ge [sflag:s29], $0x3400  }
0x27: {  	[sflag:s29] =	ssyncset.done $0x0  }
0x28: {  	[sflag:s29] =	ssyncadd.s32 $0xFFFFCC00  }
0x29: {  	[spmem:s4] =	stream.indirect.scatter.add.f32 [tilespmem:s26], [sflag:$0xC], $0x80, s8, s11, $0xb8;
	[tilespmem:$0x1D880] =	vst v63  }
0x2a: {  	_ =	swait.ge [sflag:s30], $0x3400  }
0x2b: {  	[sflag:s30] =	ssyncset.done $0x0  }
0x2c: {  	[sflag:s30] =	ssyncadd.s32 $0xFFFFCC00  }
0x2d: {  	_ =	swait.ge [sflag:s13], $0x3400  }
0x2e: {  	[sflag:s13] =	ssyncset.done $0x0  }
0x2f: {  	s3 =	simm.s32 $0xC;
	[sflag:s13] =	ssyncadd.s32 $0xFFFFCC00  }
0x30: {  	_ =	swait.ge [sflag:s3], $0x3400  }
0x31: {  	s6 =	simm.s32 @!p0 $0x9F00;
	[sflag:s3] =	ssyncset.done $0x0  }
0x32: {  	s15 =	rddreg [dreg:$0xc];
	[sflag:s3] =	ssyncadd.s32 $0xFFFFCC00;
	s3 =	simm.s32 @!p0 $0x0  }
0x33: {  	[tilespmem:s6], [sflag:$0xD] =	stream.linear.gather @!p0 [hbm4b:s15+s3], $0x40, $0x38;
	[tilespmem:$0x1D880] =	vst v63  }
0x34: {  	s15 =	simm.s32 @!p0 $0xD  }
0x35: {  	_ =	swait.ge @!p0 [sflag:s15], $0x40  }
0x36: {  	[sflag:s15] =	ssyncset.done @!p0 $0x0  }
0x37: {  	s17 =	simm.s32 @!p0 $0x9F80;
	s31 =	rddreg [dreg:$0xd];
	[sflag:s15] =	ssyncadd.s32 @!p0 $0xFFFFFFC0  }
0x38: {  	[tilespmem:s17], [sflag:$0xD] =	stream.linear.gather @!p0 [hbm4b:s31+s3], $0x40, $0x38;
	[tilespmem:$0x1D880] =	vst v63  }
0x39: {  	_ =	swait.ge @!p0 [sflag:s15], $0x40  }
0x3a: {  	[sflag:s15] =	ssyncset.done @!p0 $0x0  }
0x3b: {  	s3 =	simm.s32 @!p0 $0x40;
	s31 =	simm.s32 @!p0 $0x300;
	[sflag:s15] =	ssyncadd.s32 @!p0 $0xFFFFFFC0  }
0x3c: {  	[tilespmem:s31], [sflag:$0xD] =	stream.indirect.gather @!p0 [hbm4b:s0+s3], $0x80, s6, s3, $0xb8;
	[tilespmem:$0x1D880] =	vst v63  }
0x3d: {  	_ =	swait.ge @!p0 [sflag:s15], $0x2000  }
0x3e: {  	[sflag:s15] =	ssyncset.done @!p0 $0x0  }
0x3f: {  	[sflag:s15] =	ssyncadd.s32 @!p0 $0xFFFFE000  }
0x40: {  	[spmem:s4] =	stream.indirect.scatter.add.f32 @!p0 [tilespmem:s31], [sflag:$0xD], $0x80, s17, s3, $0xb8;
	[tilespmem:$0x1D880] =	vst v63  }
0x41: {  	_ =	swait.ge @!p0 [sflag:s15], $0x2000  }
0x42: {  	[sflag:s15] =	ssyncset.done @!p0 $0x0  }
0x43: {  	[sflag:s15] =	ssyncadd.s32 @!p0 $0xFFFFE000  }
0x44: {  	s15 =	stileid.u32;
	[bflag:$0x0] =	sbarrier.arrive $0xFFFF  }
0x45: {  	s3 =	sshll.u32 s15, $0x6;
	s15 =	simm.s32 $0xD;
	s17 =	rddreg [dreg:$0xf]  }
0x46: {  	s3 =	sor.u32 $0x1C0D, s3;
	s31 =	rddreg [dreg:$0xe];
	s6 =	sshrl.u32 s17, $0x3  }
0x47: {  	[hbm:s31], [sflag:s3] =	dma.local [spmem:s6], $0x2700  }
0x48: {  	_ =	swait.ge [sflag:s15], $0x2700  }
0x49: {  	[sflag:s15] =	ssyncset.done $0x0;
	s6 =	rddreg [dreg:$0xb]  }
0x4a: {  	[sflag:s15] =	ssyncadd.s32 $0xFFFFD900;
	s6 =	sshrl.u32 @!p2 s6, $0x3;
	s15 =	rddreg [dreg:$0x10]  }
0x4b: {  	[hbm:s15], [sflag:s3] =	dma.local @!p2 [spmem:s6], $0x100  }
0x4c: {  	s3 =	simm.s32 @!p2 $0xD  }
0x4d: {  	_ =	swait.ge @!p2 [sflag:s3], $0x100  }
0x4e: {  	s17 =	rddreg [dreg:$0x19]  }
0x4f: {  	s31 =	rddreg [dreg:$0x11];
	s15 =	sadd.s32 $0x1, s17  }
0x50: {  	p3 =	sne.s32 s15, s31  }
.Ltmp1:
0x51: {  	_ = 	snop;
	(pc) =	sbr.rel @!p3 .LBB2_7-.Ltmp1, $3  }
0x52: {  	_ =	sdelay $0x1  }
0x53: {  	[sflag:s3] =	ssyncset.done @!p2 $0x0  }
0x54: {  	[sflag:s3] =	ssyncadd.s32 @!p2 $0xFFFFFF00  }
.LBB2_1:
0x55: {  	[dreg:$0x19] =	wrdreg s15  }
0x56: {  	s3 =	rddreg [dreg:$0x5]  }
0x57: {  	[tilespmem:s5], [sflag:$0x1] =	stream.linear.gather [hbm4b:s3+s5], $0x68, $0x38;
	[tilespmem:$0x1D880] =	vst v63  }
0x58: {  	s17 =	rddreg [dreg:$0x6];
	s6 =	simm.s32 $0x180  }
0x59: {  	[tilespmem:s6], [sflag:$0x4] =	stream.linear.gather [hbm4b:s17+s5], $0x68, $0x38;
	[tilespmem:$0x1D880] =	vst v63  }
0x5a: {  	s31 =	rddreg [dreg:$0x7]  }
0x5b: {  	[tilespmem:s1], [sflag:$0x2] =	stream.linear.gather [hbm4b:s31+s5], $0x68, $0x38;
	[tilespmem:$0x1D880] =	vst v63  }
0x5c: {  	s6 =	rddreg [dreg:$0x8]  }
0x5d: {  	[tilespmem:s2], [sflag:$0x5] =	stream.linear.gather [hbm4b:s6+s5], $0x68, $0x38;
	[tilespmem:$0x1D880] =	vst v63  }
0x5e: {  	s15 =	rddreg [dreg:$0x9]  }
0x5f: {  	[tilespmem:s7], [sflag:$0x3] =	stream.linear.gather [hbm4b:s15+s5], $0x68, $0x38;
	[tilespmem:$0x1D880] =	vst v63  }
0x60: {  	s17 =	rddreg [dreg:$0xa]  }
0x61: {  	[tilespmem:s8], [sflag:$0x6] =	stream.linear.gather [hbm4b:s17+s5], $0x68, $0x38;
	[tilespmem:$0x1D880] =	vst v63  }
0x62: {  	_ =	swait.ge [sflag:s9], $0x68  }
0x63: {  	[sflag:s9] =	ssyncset.done $0x0  }
0x64: {  	s31 =	sand.u32 $0xFE00, s5;
	[sflag:s9] =	ssyncadd.s32 $0xFFFFFF98  }
0x65: {  	s3 =	sshrl.u32 s31, $0x2;
	_ =	swait.ge [sflag:s10], $0x68  }
0x66: {  	s15 =	simm.s32 $0x40;
	s17 =	sand.u32 $0x70, s5;
	[sflag:s10] =	ssyncset.done $0x0  }
0x67: {  	s3 =	sor.u32 s17, s3;
	s17 =	simm.s32 $0x0;
	[sflag:s10] =	ssyncadd.s32 $0xFFFFFF98  }
0x68: {  	[tilespmem:s12], [sflag:$0x8] =	stream.indirect.gather [hbm4b:s0+s11], $0x80, s1, s11, $0xb8;
	[tilespmem:$0x1D880] =	vst v63  }
.LBB2_2:
0x69: {  	p3 =	seq.s32 s15, $0xCFC0  }
0x6a: {  	[tilespmem:s3+$0x300] =	vst v0;
	s17 =	sadd.s32 $0x10, s17;
	s3 =	smov.u32 s15;
	s15 =	sadd.s32 $0x40, s15  }
.Ltmp2:
0x6b: {  	(pc) =	sbr.rel @!p3 .LBB2_2-.Ltmp2, $4  }
0x6c: {  	_ = 	snop  }
0x6d: {  	s3 =	sand.u32 $0xFE00, s3  }
0x6e: {  	s31 =	sand.u32 $0x70, s17;
	s3 =	sshrl.u32 s3, $0x2  }
0x6f: {  	s3 =	sor.u32 s31, s3  }
0x70: {  	[tilespmem:s3+$0x300] =	vst v0;
	s15 =	rddreg [dreg:$0xf];
	s6 =	simm.s32 $0xD  }
0x71: {  	[spmem:s15] =	stream.linear.scatter [tilespmem:s14], [sflag:$0xD], $0x3400, $0x38;
	[tilespmem:$0x1D880] =	vst v63  }
0x72: {  	_ =	swait.ge [sflag:s6], $0x3400  }
0x73: {  	[sflag:s6] =	ssyncset.done $0x0  }
0x74: {  	s17 =	rddreg [dreg:$0x12];
	[sflag:s6] =	ssyncadd.s32 $0xFFFFCC00  }
0x75: {  	[spmem:s17] =	stream.linear.scatter [tilespmem:s14], [sflag:$0xD], $0x3400, $0x38;
	[tilespmem:$0x1D880] =	vst v63  }
0x76: {  	_ =	swait.ge [sflag:s6], $0x3400  }
0x77: {  	[sflag:s6] =	ssyncset.done $0x0  }
0x78: {  	s31 =	rddreg [dreg:$0x15];
	[sflag:s6] =	ssyncadd.s32 $0xFFFFCC00  }
0x79: {  	[spmem:s31] =	stream.linear.scatter [tilespmem:s14], [sflag:$0xD], $0x3400, $0x38;
	[tilespmem:$0x1D880] =	vst v63  }
0x7a: {  	_ =	swait.ge [sflag:s6], $0x3400  }
0x7b: {  	[sflag:s6] =	ssyncset.done $0x0  }
0x7c: {  	s15 =	rddreg [dreg:$0x16];
	[sflag:s6] =	ssyncadd.s32 $0xFFFFCC00  }
0x7d: {  	[spmem:s15] =	stream.linear.scatter [tilespmem:s14], [sflag:$0xD], $0x3400, $0x38;
	[tilespmem:$0x1D880] =	vst v63  }
0x7e: {  	_ =	swait.ge [sflag:s6], $0x3400  }
0x7f: {  	[sflag:s6] =	ssyncset.done $0x0  }
0x80: {  	s17 =	rddreg [dreg:$0x17];
	[sflag:s6] =	ssyncadd.s32 $0xFFFFCC00  }
0x81: {  	[spmem:s17] =	stream.linear.scatter [tilespmem:s14], [sflag:$0xD], $0x3400, $0x38;
	[tilespmem:$0x1D880] =	vst v63  }
0x82: {  	_ =	swait.ge [sflag:s6], $0x3400  }
0x83: {  	[sflag:s6] =	ssyncset.done $0x0  }
0x84: {  	s31 =	rddreg [dreg:$0x18];
	[sflag:s6] =	ssyncadd.s32 $0xFFFFCC00  }
0x85: {  	[spmem:s31] =	stream.linear.scatter [tilespmem:s14], [sflag:$0xD], $0x3400, $0x38;
	[tilespmem:$0x1D880] =	vst v63  }
0x86: {  	_ =	swait.ge [sflag:s6], $0x3400  }
0x87: {  	[sflag:s6] =	ssyncset.done $0x0  }
0x88: {  	s3 =	simm.s32 @p1 $0x300;
	[sflag:s6] =	ssyncadd.s32 $0xFFFFCC00;
	s6 =	rddreg [dreg:$0xb]  }
0x89: {  	[spmem:s6] =	stream.linear.scatter @p1 [tilespmem:s3], [sflag:$0xD], $0x800, $0x38;
	[tilespmem:$0x1D880] =	vst v63  }
0x8a: {  	s3 =	simm.s32 @p1 $0xD  }
0x8b: {  	_ =	swait.ge @p1 [sflag:s3], $0x800  }
0x8c: {  	[sflag:s3] =	ssyncset.done @p1 $0x0  }
0x8d: {  	[sflag:s3] =	ssyncadd.s32 @p1 $0xFFFFF800  }
0x8e: {  	[bflag:$0x0] =	sbarrier.arrive $0xFFFF  }
0x8f: {  	_ =	swait.ge [sflag:s16], $0x68  }
0x90: {  	[sflag:s16] =	ssyncset.done $0x0  }
0x91: {  	[sflag:s16] =	ssyncadd.s32 $0xFFFFFF98  }
0x92: {  	_ =	swait.ge [sflag:s18], $0x68  }
0x93: {  	[sflag:s18] =	ssyncset.done $0x0  }
0x94: {  	s17 =	simm.s32 $0x0;
	s15 =	rddreg [dreg:$0x14];
	[sflag:s18] =	ssyncadd.s32 $0xFFFFFF98  }
0x95: {  	[tilespmem:s14], [sflag:$0x7] =	stream.indirect.gather [hbm4b:s0+s11], $0x80, s17, s11, $0xb8;
	[tilespmem:$0x1D880] =	vst v63  }
.LBB2_4:
0x96: {  	_ =	swait.ge [sflag:s19], $0x3400  }
0x97: {  	[sflag:s19] =	ssyncset.done $0x0  }
0x98: {  	s3 =	simm.s32 $0x180;
	p3 =	seq.s32 s17, $0x4B9;
	[sflag:s19] =	ssyncadd.s32 $0xFFFFCC00  }
0x99: {  	[spmem:s4] =	stream.indirect.scatter.add.f32 [tilespmem:s14], [sflag:$0xA], $0x80, s3, s11, $0xb8;
	[tilespmem:$0x1D880] =	vst v63  }
0x9a: {  	s3 =	sshrl.u32 @!p3 s15, $0x3  }
0x9b: {  	s6 =	simm.s32 @!p3 $0x0;
	s31 =	sadd.s32 @!p3 s21, s3  }
0x9c: {  	[tilespmem:s6], [sflag:$0x1] =	stream.linear.gather @!p3 [hbm4b:s31+s6], $0x68, $0x38;
	[tilespmem:$0x1D880] =	vst v63  }
0x9d: {  	s31 =	rddreg [dreg:$0x2]  }
0x9e: {  	s3 =	sadd.s32 @!p3 s31, s3;
	s31 =	simm.s32 @!p3 $0x180  }
0x9f: {  	[tilespmem:s31], [sflag:$0x4] =	stream.linear.gather @!p3 [hbm4b:s3+s6], $0x68, $0x38;
	[tilespmem:$0x1D880] =	vst v63  }
0xa0: {  	_ =	swait.ge [sflag:s20], $0x68  }
0xa1: {  	[sflag:s20] =	ssyncset.done $0x0  }
0xa2: {  	[sflag:s20] =	ssyncadd.s32 $0xFFFFFF98  }
0xa3: {  	_ =	swait.ge [sflag:s25], $0x68  }
0xa4: {  	p4 =	seq.s32 s17, $0x0;
	[sflag:s25] =	ssyncset.done $0x0  }
0xa5: {  	s3 =	simm.s32 @!p4 $0xC;
	[sflag:s25] =	ssyncadd.s32 $0xFFFFFF98  }
0xa6: {  	_ =	swait.ge @!p4 [sflag:s3], $0x3400  }
0xa7: {  	[sflag:s3] =	ssyncset.done @!p4 $0x0  }
0xa8: {  	[sflag:s3] =	ssyncadd.s32 @!p4 $0xFFFFCC00  }
0xa9: {  	[tilespmem:s26], [sflag:$0x9] =	stream.indirect.gather [hbm4b:s0+s11], $0x80, s7, s11, $0xb8;
	[tilespmem:$0x1D880] =	vst v63  }
.Ltmp3:
0xaa: {  	_ = 	snop;
	(pc) =	sbr.rel @p3 .LBB2_6-.Ltmp3, $4  }
0xab: {  	_ =	swait.ge [sflag:s28], $0x3400  }
0xac: {  	[sflag:s28] =	ssyncset.done $0x0  }
0xad: {  	[sflag:s28] =	ssyncadd.s32 $0xFFFFCC00  }
0xae: {  	[spmem:s4] =	stream.indirect.scatter.add.f32 [tilespmem:s12], [sflag:$0xB], $0x80, s2, s11, $0xb8;
	[tilespmem:$0x1D880] =	vst v63  }
0xaf: {  	s3 =	sadd.s32 s17, s24  }
0xb0: {  	[tilespmem:s1], [sflag:$0x2] =	stream.linear.gather [hbm4b:s3+s5], $0x68, $0x38;
	[tilespmem:$0x1D880] =	vst v63  }
0xb1: {  	s31 =	sadd.s32 s17, s23  }
0xb2: {  	[tilespmem:s2], [sflag:$0x5] =	stream.linear.gather [hbm4b:s31+s5], $0x68, $0x38;
	[tilespmem:$0x1D880] =	vst v63  }
0xb3: {  	_ =	swait.ge [sflag:s16], $0x68  }
0xb4: {  	[sflag:s16] =	ssyncset.done $0x0  }
0xb5: {  	[sflag:s16] =	ssyncadd.s32 $0xFFFFFF98  }
0xb6: {  	_ =	swait.ge [sflag:s18], $0x68  }
0xb7: {  	[sflag:s18] =	ssyncset.done $0x0  }
0xb8: {  	[sflag:s18] =	ssyncadd.s32 $0xFFFFFF98  }
0xb9: {  	_ =	swait.ge [sflag:s30], $0x3400  }
0xba: {  	[sflag:s30] =	ssyncset.done $0x0  }
0xbb: {  	[sflag:s30] =	ssyncadd.s32 $0xFFFFCC00  }
0xbc: {  	[tilespmem:s14], [sflag:$0x7] =	stream.indirect.gather [hbm4b:s0+s11], $0x80, s5, s11, $0xb8;
	[tilespmem:$0x1D880] =	vst v63  }
0xbd: {  	_ =	swait.ge [sflag:s29], $0x3400  }
0xbe: {  	[sflag:s29] =	ssyncset.done $0x0  }
0xbf: {  	[sflag:s29] =	ssyncadd.s32 $0xFFFFCC00  }
0xc0: {  	[spmem:s4] =	stream.indirect.scatter.add.f32 [tilespmem:s26], [sflag:$0xC], $0x80, s8, s11, $0xb8;
	[tilespmem:$0x1D880] =	vst v63  }
0xc1: {  	s6 =	sadd.s32 s17, s22;
	s31 =	rddreg [dreg:$0x13]  }
0xc2: {  	[tilespmem:s7], [sflag:$0x3] =	stream.linear.gather [hbm4b:s6+s5], $0x68, $0x38;
	[tilespmem:$0x1D880] =	vst v63  }
0xc3: {  	s3 =	sadd.s32 s17, s31  }
0xc4: {  	[tilespmem:s8], [sflag:$0x6] =	stream.linear.gather [hbm4b:s3+s5], $0x68, $0x38;
	[tilespmem:$0x1D880] =	vst v63  }
0xc5: {  	_ =	swait.ge [sflag:s9], $0x68  }
0xc6: {  	[sflag:s9] =	ssyncset.done $0x0  }
0xc7: {  	[sflag:s9] =	ssyncadd.s32 $0xFFFFFF98  }
0xc8: {  	_ =	swait.ge [sflag:s10], $0x68  }
0xc9: {  	[sflag:s10] =	ssyncset.done $0x0  }
.Ltmp4:
0xca: {  	[sflag:s10] =	ssyncadd.s32 $0xFFFFFF98;
	(pc) =	sbr.rel .LBB2_4-.Ltmp4, $4  }
0xcb: {  	_ =	swait.ge [sflag:s13], $0x3400  }
0xcc: {  	[sflag:s13] =	ssyncset.done $0x0  }
0xcd: {  	s15 =	sadd.s32 $0x138, s15;
	s17 =	sadd.s32 $0x27, s17;
	[sflag:s13] =	ssyncadd.s32 $0xFFFFCC00  }
0xce: {  	[tilespmem:s12], [sflag:$0x8] =	stream.indirect.gather [hbm4b:s0+s11], $0x80, s1, s11, $0xb8;
	[tilespmem:$0x1D880] =	vst v63  }
.LBB2_7:
0xcf: {  	_ =	sfence.sel $0x180000  }
0xd0: {  	[bflag:$0x0] =	sbarrier.arrive $0xFFFF  }
0xd1: {  	_ =	strace $0x90000047  }
0xd2: {  	s0 =	stileid.u32;
	[bflag:$0x2] =	sbarrier.arrive $0xFFFF  }
0xd3: {  	p0 =	sne.s32 s0, $0x0;
	s0 =	rddreg [dreg:$0x4]  }
0xd4: {  	s0 =	sadd.s32 @!p0 $0x100000, s0  }
0xd5: {  	[sflag:s0] =	ssyncadd.tile.s32 @!p0 $0x1;
	_ =	shalt  }
.Lfunc_end2:
_tile_overlayer_lowered:
.L_overlay_start_2:
0xd6: {  	(tag) =	ssettag $0x2  }
0xd7: {  	s0 =	rddreg [dreg:$0x0];
	s2 =	stileid.u32  }
0xd8: {  	s1 =	rddreg [dreg:$0x1];
	p0 =	sne.s32 s2, $0x0  }
0xd9: {  	s3 =	rddreg [dreg:$0x2];
	[bflag:$0x3] =	sbarrier.arrive $0xFFFF;
	s2 =	simm.s32 @!p0 $0x1C0D  }
0xda: {  	[timem:s3], [sflag:s2] =	dma.local @!p0 [hbm:s0], s1  }
0xdb: {  	s0 =	simm.s32 @!p0 $0xD  }
0xdc: {  	_ =	swait.ge @!p0 [sflag:s0], s1  }
0xdd: {  	s1 =	ssub.s32 @!p0 $0x0, s1;
	[sflag:s0] =	ssyncset.done @!p0 $0x0  }
0xde: {  	[sflag:s0] =	ssyncadd.s32 @!p0 s1  }
0xdf: {  	[bflag:$0x3] =	sbarrier.arrive $0xFFFF  }
0xe0: {  	_ =	shalt  }

</sc_bundles>
